<compile_context>
chip_gen: v7x
topology: tpu7x:2x2x1
jax: 0.10.2.dev20260603
libtpu: 0.0.44.dev20260713+nightly
codegen_flags: <defaults>
</compile_context>

<pallas_src>
import functools

import jax
import jax.numpy as jnp
from jax import lax
from jax.experimental import pallas as pl
from jax.experimental.pallas import tpu as pltpu
from jax.experimental.pallas import tpu_sc as plsc

VOCAB = 100000
EMB = 128
BATCH = 4096
MAXLEN = 200

_VB = 5
_VROWS = VOCAB // _VB

_NC = 2
_NS = 16
_NW = _NC * _NS
_RPW = BATCH // _NW
_IPW = _RPW * MAXLEN
_LANES = 16


def _fold_body(x_ref, w_ref, b_ref, o_ref):
    x = x_ref[...]
    w = w_ref[...]
    s = jax.lax.dot_general(
        w, x, (((1,), (1,)), ((), ())),
        preferred_element_type=jnp.float32)
    o_ref[0, 0, :] = (s[0] + b_ref[0, 0]) * (1.0 / MAXLEN)


def _fold_table(x2, w2, b2):
    return pl.pallas_call(
        _fold_body,
        grid=(_VB,),
        in_specs=[
            pl.BlockSpec((_VROWS, EMB), lambda i: (i, 0)),
            pl.BlockSpec((1, EMB), lambda i: (0, 0)),
            pl.BlockSpec((1, 1), lambda i: (0, 0)),
        ],
        out_specs=pl.BlockSpec((1, 1, _VROWS), lambda i: (i, 0, 0)),
        out_shape=jax.ShapeDtypeStruct((_VB, 1, _VROWS), jnp.float32),
    )(x2, w2, b2)


def _sc_pool(t_flat, idx2d):
    mesh = plsc.VectorSubcoreMesh(core_axis_name="c", subcore_axis_name="s")

    @functools.partial(
        pl.kernel,
        mesh=mesh,
        out_type=jax.ShapeDtypeStruct((BATCH,), jnp.float32),
        scratch_types=[
            pltpu.VMEM((VOCAB,), jnp.float32),
            pltpu.VMEM_SHARED((VOCAB,), jnp.float32),
            pltpu.VMEM((_RPW // 2, MAXLEN), jnp.int32),
            pltpu.VMEM((_RPW,), jnp.float32),
            pltpu.SemaphoreType.DMA,
            pltpu.SemaphoreType.DMA,
        ],
        compiler_params=pltpu.CompilerParams(needs_layout_passes=False),
    )
    def k(t_hbm, idx_hbm, out_hbm, t_v, t_sh, idx_v, out_v, sem, sem2):
        sid = lax.axis_index("s")
        wid = sid * _NC + lax.axis_index("c")
        base = wid * _RPW
        half = _RPW // 2
        shard = _VROWS
        idx_cp = pltpu.async_copy(
            idx_hbm.at[pl.ds(base, half), :], idx_v, sem2)
        for r in range((_VB + _NS - 1) // _NS):
            c = r * _NS + sid

            @pl.when(c < _VB)
            def _(c=c):
                pltpu.sync_copy(t_hbm.at[c, 0, :],
                                t_v.at[pl.ds(c * shard, shard)])
                pltpu.sync_copy(t_v.at[pl.ds(c * shard, shard)],
                                t_sh.at[pl.ds(c * shard, shard)])
        plsc.subcore_barrier()
        t_cp = pltpu.async_copy(t_sh, t_v, sem)
        idx_cp.wait()
        t_cp.wait()

        lane = lax.iota(jnp.int32, _LANES)

        for h in range(2):
            if h:
                pltpu.sync_copy(idx_hbm.at[pl.ds(base + half, half), :], idx_v)

            def g_body(g, carry):
                rows = lane + g * _LANES

                def lc_body(lc, acc):
                    lbase = lc * 25
                    for j in range(25):
                        cols = jnp.full((_LANES,), lbase + j, jnp.int32)
                        ivals = plsc.load_gather(idx_v, [rows, cols])
                        acc = acc + plsc.load_gather(t_v, [ivals])
                    return acc

                acc = lax.fori_loop(0, MAXLEN // 25, lc_body,
                                    jnp.zeros((_LANES,), jnp.float32))
                out_v[pl.ds(h * half + g * _LANES, _LANES)] = (
                    1.0 / (1.0 + jnp.exp(-acc)))
                return carry

            lax.fori_loop(0, half // _LANES, g_body, 0)
        pltpu.sync_copy(out_v, out_hbm.at[pl.ds(base, _RPW)])

    return k(t_flat, idx2d)


def kernel(indices, emb_table, W, b):
    w2 = W.reshape(1, EMB)
    b2 = b.reshape(1, 1)
    t = _fold_table(emb_table, w2, b2)
    out = _sc_pool(t, indices.astype(jnp.int32))
    return out.reshape(BATCH, 1)

# --- scband reference (transcript-rebuilt; emitter-appended) ---
"""Pipeline reference for scband-fast-text-model-48258252537919 (READ-ONLY COPY).

The authoritative reference and input builder live on the scoring server;
editing this copy changes nothing except your own understanding.
"""

import jax, jax.numpy as jnp
import numpy as np

VOCAB = 100000
EMB = 128
BATCH = 4096
MAXLEN = 200
OUT = 1

def setup_inputs(seed: int = 0) -> dict:
    key = jax.random.key(seed)
    k1, k2, k3, k4 = jax.random.split(key, 4)
    indices = jax.random.randint(k1, (BATCH, MAXLEN), 0, VOCAB, dtype=jnp.int64 if jax.config.jax_enable_x64 else jnp.int32)
    emb_table = jax.random.normal(k2, (VOCAB, EMB), dtype=jnp.float32) * 0.02
    W = jax.random.normal(k3, (EMB, OUT), dtype=jnp.float32) * 0.05
    b = jnp.zeros((OUT,), dtype=jnp.float32)
    return {"indices": indices, "emb_table": emb_table, "W": W, "b": b}

def reference(indices, emb_table, W, b):
    # Embedding lookup: [B, L] -> [B, L, E]
    x = jnp.take(emb_table, indices, axis=0)
    # GlobalAveragePooling1D over the sequence axis -> [B, E]
    pooled = jnp.mean(x, axis=1)
    # Dense with sigmoid activation -> [B, 1]
    logits = pooled @ W + b
    return jax.nn.sigmoid(logits)

if __name__ == "__main__":
    import jax
    _d = setup_inputs()
    print(jax.jit(kernel)(*tuple(_d.values())))

</pallas_src>

<mosaic_0001>
#map = affine_map<(d0, d1) -> (0, 0, 0)>
#map1 = affine_map<(d0, d1) -> (0, 0)>
#map2 = affine_map<(d0, d1) -> (0)>
module attributes {stable_mosaic.version = 14 : i64} {
  func.func @k(%arg0: i32, %arg1: i32, %arg2: memref<5x1x20000xf32, #tpu.memory_space<hbm>>, %arg3: memref<4096x200xi32, #tpu.memory_space<hbm>>, %arg4: memref<4096xf32, #tpu.memory_space<hbm>>, %arg5: memref<100000xf32, #tpu.memory_space<vmem>>, %arg6: memref<100000xf32, #tpu.memory_space<vmem_shared>>, %arg7: memref<64x200xi32, #tpu.memory_space<vmem>>, %arg8: memref<128xf32, #tpu.memory_space<vmem>>, %arg9: memref<!tpu.dma_semaphore, #tpu.memory_space<semaphore_mem>>, %arg10: memref<!tpu.dma_semaphore, #tpu.memory_space<semaphore_mem>>) attributes {dimension_semantics = [#tpu.dimension_semantics<core_parallel>, #tpu.dimension_semantics<subcore_parallel>], iteration_bounds = array<i64: 2, 16>, scalar_prefetch = 0 : i64, scratch_operands = 6 : i64, tpu.core_type = #tpu.core_type<sc_vector_subcore>, window_params = [{transform_indices = #map}, {transform_indices = #map1}, {transform_indices = #map2}]} {
    %mul3A = arith.constant 2 : i32
    %mul3A_0 = arith.muli %arg1, %mul3A : i32
    %add3A = arith.addi %mul3A_0, %arg0 : i32
    %mul3A_1 = arith.constant 128 : i32
    %mul3A_2 = arith.muli %add3A, %mul3A_1 : i32
    %dma_start3A = arith.constant 0 : i32
    %dma_start3A_3 = tpu.memref_slice %arg3[%mul3A_2, %dma_start3A] : memref<4096x200xi32, #tpu.memory_space<hbm>> -> memref<64x200xi32, #tpu.memory_space<hbm>>
    %dma_start3A_4 = arith.constant 0 : i32
    %dma_start3A_5 = tpu.memref_slice %arg3[%mul3A_2, %dma_start3A_4] : memref<4096x200xi32, #tpu.memory_space<hbm>> -> memref<64x200xi32, #tpu.memory_space<hbm>>
    tpu.enqueue_dma source(%dma_start3A_5 : memref<64x200xi32, #tpu.memory_space<hbm>>) target(%arg7 : memref<64x200xi32, #tpu.memory_space<vmem>>) target_semaphore(%arg10 : memref<!tpu.dma_semaphore, #tpu.memory_space<semaphore_mem>>)
    %add3A_6 = arith.constant 0 : i32
    %add3A_7 = arith.addi %add3A_6, %arg1 : i32
    %lt3A = arith.constant 5 : i32
    %lt3A_8 = arith.cmpi slt, %add3A_7, %lt3A : i32
    %convert_element_type3A = arith.extui %lt3A_8 : i1 to i32
    %cond3A = arith.constant 0 : i32
    %cond3A_9 = arith.cmpi ne, %convert_element_type3A, %cond3A : i32
    scf.if %cond3A_9 {
      %mul3A_26 = arith.constant 20000 : i32
      %mul3A_27 = arith.muli %add3A_7, %mul3A_26 : i32
      %run_scoped3A = arith.constant 0 : i32
      "tpu.region"() ({
        %run_scoped3A_32 = tpu.sem_alloc : memref<!tpu.dma_semaphore, #tpu.memory_space<semaphore_mem>>
        %dma_start3A_33 = tpu.memref_slice %arg5[%mul3A_27] : memref<100000xf32, #tpu.memory_space<vmem>> -> memref<20000xf32, #tpu.memory_space<vmem>>
        %dma_start3A_34 = arith.constant 0 : i32
        %dma_start3A_35 = tpu.memref_slice %arg2[%add3A_7, %run_scoped3A, %dma_start3A_34] : memref<5x1x20000xf32, #tpu.memory_space<hbm>> -> memref<1x1x20000xf32, #tpu.memory_space<hbm>>
        %dma_start3A_36 = tpu.memref_squeeze %dma_start3A_35 : memref<1x1x20000xf32, #tpu.memory_space<hbm>> -> memref<20000xf32, #tpu.memory_space<hbm>>
        %dma_start3A_37 = tpu.memref_slice %arg5[%mul3A_27] : memref<100000xf32, #tpu.memory_space<vmem>> -> memref<20000xf32, #tpu.memory_space<vmem>>
        %dma_start3A_38 = arith.constant 0 : i32
        %dma_start3A_39 = tpu.memref_slice %arg2[%add3A_7, %run_scoped3A, %dma_start3A_38] : memref<5x1x20000xf32, #tpu.memory_space<hbm>> -> memref<1x1x20000xf32, #tpu.memory_space<hbm>>
        %dma_start3A_40 = tpu.memref_squeeze %dma_start3A_39 : memref<1x1x20000xf32, #tpu.memory_space<hbm>> -> memref<20000xf32, #tpu.memory_space<hbm>>
        tpu.enqueue_dma source(%dma_start3A_40 : memref<20000xf32, #tpu.memory_space<hbm>>) target(%dma_start3A_37 : memref<20000xf32, #tpu.memory_space<vmem>>) target_semaphore(%run_scoped3A_32 : memref<!tpu.dma_semaphore, #tpu.memory_space<semaphore_mem>>)
        %dma_wait3A_41 = tpu.memref_slice %arg5[%mul3A_27] : memref<100000xf32, #tpu.memory_space<vmem>> -> memref<20000xf32, #tpu.memory_space<vmem>>
        %dma_wait3A_42 = arith.constant 0 : i32
        %dma_wait3A_43 = tpu.memref_slice %arg2[%add3A_7, %run_scoped3A, %dma_wait3A_42] : memref<5x1x20000xf32, #tpu.memory_space<hbm>> -> memref<1x1x20000xf32, #tpu.memory_space<hbm>>
        %dma_wait3A_44 = tpu.memref_squeeze %dma_wait3A_43 : memref<1x1x20000xf32, #tpu.memory_space<hbm>> -> memref<20000xf32, #tpu.memory_space<hbm>>
        %dma_wait3A_45 = tpu.memref_slice %arg5[%mul3A_27] : memref<100000xf32, #tpu.memory_space<vmem>> -> memref<20000xf32, #tpu.memory_space<vmem>>
        %dma_wait3A_46 = arith.constant 0 : i32
        %dma_wait3A_47 = tpu.memref_slice %arg2[%add3A_7, %run_scoped3A, %dma_wait3A_46] : memref<5x1x20000xf32, #tpu.memory_space<hbm>> -> memref<1x1x20000xf32, #tpu.memory_space<hbm>>
        %dma_wait3A_48 = tpu.memref_squeeze %dma_wait3A_47 : memref<1x1x20000xf32, #tpu.memory_space<hbm>> -> memref<20000xf32, #tpu.memory_space<hbm>>
        tpu.wait_dma2 semaphore(%run_scoped3A_32 : memref<!tpu.dma_semaphore, #tpu.memory_space<semaphore_mem>>) src(%dma_wait3A_48 : memref<20000xf32, #tpu.memory_space<hbm>>) dst(%dma_wait3A_45 : memref<20000xf32, #tpu.memory_space<vmem>>)
        tpu.yield
      }) : () -> ()
      %mul3A_28 = arith.constant 20000 : i32
      %mul3A_29 = arith.muli %add3A_7, %mul3A_28 : i32
      %mul3A_30 = arith.constant 20000 : i32
      %mul3A_31 = arith.muli %add3A_7, %mul3A_30 : i32
      "tpu.region"() ({
        %run_scoped3A_32 = tpu.sem_alloc : memref<!tpu.dma_semaphore, #tpu.memory_space<semaphore_mem>>
        %dma_start3A_33 = tpu.memref_slice %arg5[%mul3A_29] : memref<100000xf32, #tpu.memory_space<vmem>> -> memref<20000xf32, #tpu.memory_space<vmem>>
        %dma_start3A_34 = tpu.memref_slice %arg6[%mul3A_31] : memref<100000xf32, #tpu.memory_space<vmem_shared>> -> memref<20000xf32, #tpu.memory_space<vmem_shared>>
        %dma_start3A_35 = tpu.memref_slice %arg6[%mul3A_31] : memref<100000xf32, #tpu.memory_space<vmem_shared>> -> memref<20000xf32, #tpu.memory_space<vmem_shared>>
        %dma_start3A_36 = tpu.memref_slice %arg5[%mul3A_29] : memref<100000xf32, #tpu.memory_space<vmem>> -> memref<20000xf32, #tpu.memory_space<vmem>>
        tpu.enqueue_dma source(%dma_start3A_36 : memref<20000xf32, #tpu.memory_space<vmem>>) target(%dma_start3A_35 : memref<20000xf32, #tpu.memory_space<vmem_shared>>) target_semaphore(%run_scoped3A_32 : memref<!tpu.dma_semaphore, #tpu.memory_space<semaphore_mem>>)
        %dma_wait3A_37 = tpu.memref_slice %arg5[%mul3A_29] : memref<100000xf32, #tpu.memory_space<vmem>> -> memref<20000xf32, #tpu.memory_space<vmem>>
        %dma_wait3A_38 = tpu.memref_slice %arg6[%mul3A_31] : memref<100000xf32, #tpu.memory_space<vmem_shared>> -> memref<20000xf32, #tpu.memory_space<vmem_shared>>
        %dma_wait3A_39 = tpu.memref_slice %arg6[%mul3A_31] : memref<100000xf32, #tpu.memory_space<vmem_shared>> -> memref<20000xf32, #tpu.memory_space<vmem_shared>>
        %dma_wait3A_40 = tpu.memref_slice %arg5[%mul3A_29] : memref<100000xf32, #tpu.memory_space<vmem>> -> memref<20000xf32, #tpu.memory_space<vmem>>
        tpu.wait_dma2 semaphore(%run_scoped3A_32 : memref<!tpu.dma_semaphore, #tpu.memory_space<semaphore_mem>>) src(%dma_wait3A_40 : memref<20000xf32, #tpu.memory_space<vmem>>) dst(%dma_wait3A_39 : memref<20000xf32, #tpu.memory_space<vmem_shared>>)
        tpu.yield
      }) : () -> ()
    } else {
    }
    %barrier3A = arith.constant 0 : index
    tpu.barrier barrier_id(%barrier3A)
    tpu.enqueue_dma source(%arg6 : memref<100000xf32, #tpu.memory_space<vmem_shared>>) target(%arg5 : memref<100000xf32, #tpu.memory_space<vmem>>) target_semaphore(%arg9 : memref<!tpu.dma_semaphore, #tpu.memory_space<semaphore_mem>>)
    %dma_wait3A = arith.constant 0 : i32
    %dma_wait3A_10 = tpu.memref_slice %arg3[%mul3A_2, %dma_wait3A] : memref<4096x200xi32, #tpu.memory_space<hbm>> -> memref<64x200xi32, #tpu.memory_space<hbm>>
    %dma_wait3A_11 = arith.constant 0 : i32
    %dma_wait3A_12 = tpu.memref_slice %arg3[%mul3A_2, %dma_wait3A_11] : memref<4096x200xi32, #tpu.memory_space<hbm>> -> memref<64x200xi32, #tpu.memory_space<hbm>>
    tpu.wait_dma2 semaphore(%arg10 : memref<!tpu.dma_semaphore, #tpu.memory_space<semaphore_mem>>) src(%dma_wait3A_12 : memref<64x200xi32, #tpu.memory_space<hbm>>) dst(%arg7 : memref<64x200xi32, #tpu.memory_space<vmem>>)
    tpu.wait_dma2 semaphore(%arg9 : memref<!tpu.dma_semaphore, #tpu.memory_space<semaphore_mem>>) src(%arg6 : memref<100000xf32, #tpu.memory_space<vmem_shared>>) dst(%arg5 : memref<100000xf32, #tpu.memory_space<vmem>>)
    %iota3A = tpu.iota {dimensions = array<i32: 0>} : vector<16xi32>
    %scan3A = arith.constant 0 : i32
    %scan3A_13 = arith.constant 0 : i32
    %scan3A_14 = arith.constant 4 : i32
    %scan3A_15 = arith.addi %scan3A_13, %scan3A_14 : i32
    %scan3A_16 = arith.constant 1 : i32
    scf.for %scan3A_26 = %scan3A_13 to %scan3A_15 step %scan3A_16  : i32 {
      %mul3A_27 = arith.constant 16 : i32
      %mul3A_28 = arith.muli %scan3A_26, %mul3A_27 : i32
      %add3A_29 = vector.broadcast %mul3A_28 : i32 to vector<16xi32>
      %add3A_30 = arith.addi %iota3A, %add3A_29 : vector<16xi32>
      %broadcast_in_dim3A = arith.constant 0.000000e+00 : f32
      %broadcast_in_dim3A_31 = vector.broadcast %broadcast_in_dim3A : f32 to vector<16xf32>
      %scan3A_32 = arith.constant 0 : i32
      %scan3A_33 = arith.constant 8 : i32
      %scan3A_34 = arith.addi %scan3A_32, %scan3A_33 : i32
      %scan3A_35 = arith.constant 1 : i32
      %scan3A_36 = scf.for %scan3A_50 = %scan3A_32 to %scan3A_34 step %scan3A_35 iter_args(%scan3A_51 = %broadcast_in_dim3A_31) -> (vector<16xf32>)  : i32 {
        %mul3A_52 = arith.constant 25 : i32
        %mul3A_53 = arith.muli %scan3A_50, %mul3A_52 : i32
        %add3A_54 = arith.constant 0 : i32
        %add3A_55 = arith.addi %mul3A_53, %add3A_54 : i32
        %broadcast_in_dim3A_56 = vector.broadcast %add3A_55 : i32 to vector<16xi32>
        %gather3A = tpu.vector_load_idx %arg7[%add3A_30, %broadcast_in_dim3A_56] : memref<64x200xi32, #tpu.memory_space<vmem>>[vector<16xi32>, vector<16xi32>], vector<16xi32>,
        %gather3A_57 = tpu.vector_load_idx %arg5[%gather3A] : memref<100000xf32, #tpu.memory_space<vmem>>[vector<16xi32>], vector<16xf32>,
        %add3A_58 = arith.addf %scan3A_51, %gather3A_57 : vector<16xf32>
        %add3A_59 = arith.constant 1 : i32
        %add3A_60 = arith.addi %mul3A_53, %add3A_59 : i32
        %broadcast_in_dim3A_61 = vector.broadcast %add3A_60 : i32 to vector<16xi32>
        %gather3A_62 = tpu.vector_load_idx %arg7[%add3A_30, %broadcast_in_dim3A_61] : memref<64x200xi32, #tpu.memory_space<vmem>>[vector<16xi32>, vector<16xi32>], vector<16xi32>,
        %gather3A_63 = tpu.vector_load_idx %arg5[%gather3A_62] : memref<100000xf32, #tpu.memory_space<vmem>>[vector<16xi32>], vector<16xf32>,
        %add3A_64 = arith.addf %add3A_58, %gather3A_63 : vector<16xf32>
        %add3A_65 = arith.constant 2 : i32
        %add3A_66 = arith.addi %mul3A_53, %add3A_65 : i32
        %broadcast_in_dim3A_67 = vector.broadcast %add3A_66 : i32 to vector<16xi32>
        %gather3A_68 = tpu.vector_load_idx %arg7[%add3A_30, %broadcast_in_dim3A_67] : memref<64x200xi32, #tpu.memory_space<vmem>>[vector<16xi32>, vector<16xi32>], vector<16xi32>,
        %gather3A_69 = tpu.vector_load_idx %arg5[%gather3A_68] : memref<100000xf32, #tpu.memory_space<vmem>>[vector<16xi32>], vector<16xf32>,
        %add3A_70 = arith.addf %add3A_64, %gather3A_69 : vector<16xf32>
        %add3A_71 = arith.constant 3 : i32
        %add3A_72 = arith.addi %mul3A_53, %add3A_71 : i32
        %broadcast_in_dim3A_73 = vector.broadcast %add3A_72 : i32 to vector<16xi32>
        %gather3A_74 = tpu.vector_load_idx %arg7[%add3A_30, %broadcast_in_dim3A_73] : memref<64x200xi32, #tpu.memory_space<vmem>>[vector<16xi32>, vector<16xi32>], vector<16xi32>,
        %gather3A_75 = tpu.vector_load_idx %arg5[%gather3A_74] : memref<100000xf32, #tpu.memory_space<vmem>>[vector<16xi32>], vector<16xf32>,
        %add3A_76 = arith.addf %add3A_70, %gather3A_75 : vector<16xf32>
        %add3A_77 = arith.constant 4 : i32
        %add3A_78 = arith.addi %mul3A_53, %add3A_77 : i32
        %broadcast_in_dim3A_79 = vector.broadcast %add3A_78 : i32 to vector<16xi32>
        %gather3A_80 = tpu.vector_load_idx %arg7[%add3A_30, %broadcast_in_dim3A_79] : memref<64x200xi32, #tpu.memory_space<vmem>>[vector<16xi32>, vector<16xi32>], vector<16xi32>,
        %gather3A_81 = tpu.vector_load_idx %arg5[%gather3A_80] : memref<100000xf32, #tpu.memory_space<vmem>>[vector<16xi32>], vector<16xf32>,
        %add3A_82 = arith.addf %add3A_76, %gather3A_81 : vector<16xf32>
        %add3A_83 = arith.constant 5 : i32
        %add3A_84 = arith.addi %mul3A_53, %add3A_83 : i32
        %broadcast_in_dim3A_85 = vector.broadcast %add3A_84 : i32 to vector<16xi32>
        %gather3A_86 = tpu.vector_load_idx %arg7[%add3A_30, %broadcast_in_dim3A_85] : memref<64x200xi32, #tpu.memory_space<vmem>>[vector<16xi32>, vector<16xi32>], vector<16xi32>,
        %gather3A_87 = tpu.vector_load_idx %arg5[%gather3A_86] : memref<100000xf32, #tpu.memory_space<vmem>>[vector<16xi32>], vector<16xf32>,
        %add3A_88 = arith.addf %add3A_82, %gather3A_87 : vector<16xf32>
        %add3A_89 = arith.constant 6 : i32
        %add3A_90 = arith.addi %mul3A_53, %add3A_89 : i32
        %broadcast_in_dim3A_91 = vector.broadcast %add3A_90 : i32 to vector<16xi32>
        %gather3A_92 = tpu.vector_load_idx %arg7[%add3A_30, %broadcast_in_dim3A_91] : memref<64x200xi32, #tpu.memory_space<vmem>>[vector<16xi32>, vector<16xi32>], vector<16xi32>,
        %gather3A_93 = tpu.vector_load_idx %arg5[%gather3A_92] : memref<100000xf32, #tpu.memory_space<vmem>>[vector<16xi32>], vector<16xf32>,
        %add3A_94 = arith.addf %add3A_88, %gather3A_93 : vector<16xf32>
        %add3A_95 = arith.constant 7 : i32
        %add3A_96 = arith.addi %mul3A_53, %add3A_95 : i32
        %broadcast_in_dim3A_97 = vector.broadcast %add3A_96 : i32 to vector<16xi32>
        %gather3A_98 = tpu.vector_load_idx %arg7[%add3A_30, %broadcast_in_dim3A_97] : memref<64x200xi32, #tpu.memory_space<vmem>>[vector<16xi32>, vector<16xi32>], vector<16xi32>,
        %gather3A_99 = tpu.vector_load_idx %arg5[%gather3A_98] : memref<100000xf32, #tpu.memory_space<vmem>>[vector<16xi32>], vector<16xf32>,
        %add3A_100 = arith.addf %add3A_94, %gather3A_99 : vector<16xf32>
        %add3A_101 = arith.constant 8 : i32
        %add3A_102 = arith.addi %mul3A_53, %add3A_101 : i32
        %broadcast_in_dim3A_103 = vector.broadcast %add3A_102 : i32 to vector<16xi32>
        %gather3A_104 = tpu.vector_load_idx %arg7[%add3A_30, %broadcast_in_dim3A_103] : memref<64x200xi32, #tpu.memory_space<vmem>>[vector<16xi32>, vector<16xi32>], vector<16xi32>,
        %gather3A_105 = tpu.vector_load_idx %arg5[%gather3A_104] : memref<100000xf32, #tpu.memory_space<vmem>>[vector<16xi32>], vector<16xf32>,
        %add3A_106 = arith.addf %add3A_100, %gather3A_105 : vector<16xf32>
        %add3A_107 = arith.constant 9 : i32
        %add3A_108 = arith.addi %mul3A_53, %add3A_107 : i32
        %broadcast_in_dim3A_109 = vector.broadcast %add3A_108 : i32 to vector<16xi32>
        %gather3A_110 = tpu.vector_load_idx %arg7[%add3A_30, %broadcast_in_dim3A_109] : memref<64x200xi32, #tpu.memory_space<vmem>>[vector<16xi32>, vector<16xi32>], vector<16xi32>,
        %gather3A_111 = tpu.vector_load_idx %arg5[%gather3A_110] : memref<100000xf32, #tpu.memory_space<vmem>>[vector<16xi32>], vector<16xf32>,
        %add3A_112 = arith.addf %add3A_106, %gather3A_111 : vector<16xf32>
        %add3A_113 = arith.constant 10 : i32
        %add3A_114 = arith.addi %mul3A_53, %add3A_113 : i32
        %broadcast_in_dim3A_115 = vector.broadcast %add3A_114 : i32 to vector<16xi32>
        %gather3A_116 = tpu.vector_load_idx %arg7[%add3A_30, %broadcast_in_dim3A_115] : memref<64x200xi32, #tpu.memory_space<vmem>>[vector<16xi32>, vector<16xi32>], vector<16xi32>,
        %gather3A_117 = tpu.vector_load_idx %arg5[%gather3A_116] : memref<100000xf32, #tpu.memory_space<vmem>>[vector<16xi32>], vector<16xf32>,
        %add3A_118 = arith.addf %add3A_112, %gather3A_117 : vector<16xf32>
        %add3A_119 = arith.constant 11 : i32
        %add3A_120 = arith.addi %mul3A_53, %add3A_119 : i32
        %broadcast_in_dim3A_121 = vector.broadcast %add3A_120 : i32 to vector<16xi32>
        %gather3A_122 = tpu.vector_load_idx %arg7[%add3A_30, %broadcast_in_dim3A_121] : memref<64x200xi32, #tpu.memory_space<vmem>>[vector<16xi32>, vector<16xi32>], vector<16xi32>,
        %gather3A_123 = tpu.vector_load_idx %arg5[%gather3A_122] : memref<100000xf32, #tpu.memory_space<vmem>>[vector<16xi32>], vector<16xf32>,
        %add3A_124 = arith.addf %add3A_118, %gather3A_123 : vector<16xf32>
        %add3A_125 = arith.constant 12 : i32
        %add3A_126 = arith.addi %mul3A_53, %add3A_125 : i32
        %broadcast_in_dim3A_127 = vector.broadcast %add3A_126 : i32 to vector<16xi32>
        %gather3A_128 = tpu.vector_load_idx %arg7[%add3A_30, %broadcast_in_dim3A_127] : memref<64x200xi32, #tpu.memory_space<vmem>>[vector<16xi32>, vector<16xi32>], vector<16xi32>,
        %gather3A_129 = tpu.vector_load_idx %arg5[%gather3A_128] : memref<100000xf32, #tpu.memory_space<vmem>>[vector<16xi32>], vector<16xf32>,
        %add3A_130 = arith.addf %add3A_124, %gather3A_129 : vector<16xf32>
        %add3A_131 = arith.constant 13 : i32
        %add3A_132 = arith.addi %mul3A_53, %add3A_131 : i32
        %broadcast_in_dim3A_133 = vector.broadcast %add3A_132 : i32 to vector<16xi32>
        %gather3A_134 = tpu.vector_load_idx %arg7[%add3A_30, %broadcast_in_dim3A_133] : memref<64x200xi32, #tpu.memory_space<vmem>>[vector<16xi32>, vector<16xi32>], vector<16xi32>,
        %gather3A_135 = tpu.vector_load_idx %arg5[%gather3A_134] : memref<100000xf32, #tpu.memory_space<vmem>>[vector<16xi32>], vector<16xf32>,
        %add3A_136 = arith.addf %add3A_130, %gather3A_135 : vector<16xf32>
        %add3A_137 = arith.constant 14 : i32
        %add3A_138 = arith.addi %mul3A_53, %add3A_137 : i32
        %broadcast_in_dim3A_139 = vector.broadcast %add3A_138 : i32 to vector<16xi32>
        %gather3A_140 = tpu.vector_load_idx %arg7[%add3A_30, %broadcast_in_dim3A_139] : memref<64x200xi32, #tpu.memory_space<vmem>>[vector<16xi32>, vector<16xi32>], vector<16xi32>,
        %gather3A_141 = tpu.vector_load_idx %arg5[%gather3A_140] : memref<100000xf32, #tpu.memory_space<vmem>>[vector<16xi32>], vector<16xf32>,
        %add3A_142 = arith.addf %add3A_136, %gather3A_141 : vector<16xf32>
        %add3A_143 = arith.constant 15 : i32
        %add3A_144 = arith.addi %mul3A_53, %add3A_143 : i32
        %broadcast_in_dim3A_145 = vector.broadcast %add3A_144 : i32 to vector<16xi32>
        %gather3A_146 = tpu.vector_load_idx %arg7[%add3A_30, %broadcast_in_dim3A_145] : memref<64x200xi32, #tpu.memory_space<vmem>>[vector<16xi32>, vector<16xi32>], vector<16xi32>,
        %gather3A_147 = tpu.vector_load_idx %arg5[%gather3A_146] : memref<100000xf32, #tpu.memory_space<vmem>>[vector<16xi32>], vector<16xf32>,
        %add3A_148 = arith.addf %add3A_142, %gather3A_147 : vector<16xf32>
        %add3A_149 = arith.constant 16 : i32
        %add3A_150 = arith.addi %mul3A_53, %add3A_149 : i32
        %broadcast_in_dim3A_151 = vector.broadcast %add3A_150 : i32 to vector<16xi32>
        %gather3A_152 = tpu.vector_load_idx %arg7[%add3A_30, %broadcast_in_dim3A_151] : memref<64x200xi32, #tpu.memory_space<vmem>>[vector<16xi32>, vector<16xi32>], vector<16xi32>,
        %gather3A_153 = tpu.vector_load_idx %arg5[%gather3A_152] : memref<100000xf32, #tpu.memory_space<vmem>>[vector<16xi32>], vector<16xf32>,
        %add3A_154 = arith.addf %add3A_148, %gather3A_153 : vector<16xf32>
        %add3A_155 = arith.constant 17 : i32
        %add3A_156 = arith.addi %mul3A_53, %add3A_155 : i32
        %broadcast_in_dim3A_157 = vector.broadcast %add3A_156 : i32 to vector<16xi32>
        %gather3A_158 = tpu.vector_load_idx %arg7[%add3A_30, %broadcast_in_dim3A_157] : memref<64x200xi32, #tpu.memory_space<vmem>>[vector<16xi32>, vector<16xi32>], vector<16xi32>,
        %gather3A_159 = tpu.vector_load_idx %arg5[%gather3A_158] : memref<100000xf32, #tpu.memory_space<vmem>>[vector<16xi32>], vector<16xf32>,
        %add3A_160 = arith.addf %add3A_154, %gather3A_159 : vector<16xf32>
        %add3A_161 = arith.constant 18 : i32
        %add3A_162 = arith.addi %mul3A_53, %add3A_161 : i32
        %broadcast_in_dim3A_163 = vector.broadcast %add3A_162 : i32 to vector<16xi32>
        %gather3A_164 = tpu.vector_load_idx %arg7[%add3A_30, %broadcast_in_dim3A_163] : memref<64x200xi32, #tpu.memory_space<vmem>>[vector<16xi32>, vector<16xi32>], vector<16xi32>,
        %gather3A_165 = tpu.vector_load_idx %arg5[%gather3A_164] : memref<100000xf32, #tpu.memory_space<vmem>>[vector<16xi32>], vector<16xf32>,
        %add3A_166 = arith.addf %add3A_160, %gather3A_165 : vector<16xf32>
        %add3A_167 = arith.constant 19 : i32
        %add3A_168 = arith.addi %mul3A_53, %add3A_167 : i32
        %broadcast_in_dim3A_169 = vector.broadcast %add3A_168 : i32 to vector<16xi32>
        %gather3A_170 = tpu.vector_load_idx %arg7[%add3A_30, %broadcast_in_dim3A_169] : memref<64x200xi32, #tpu.memory_space<vmem>>[vector<16xi32>, vector<16xi32>], vector<16xi32>,
        %gather3A_171 = tpu.vector_load_idx %arg5[%gather3A_170] : memref<100000xf32, #tpu.memory_space<vmem>>[vector<16xi32>], vector<16xf32>,
        %add3A_172 = arith.addf %add3A_166, %gather3A_171 : vector<16xf32>
        %add3A_173 = arith.constant 20 : i32
        %add3A_174 = arith.addi %mul3A_53, %add3A_173 : i32
        %broadcast_in_dim3A_175 = vector.broadcast %add3A_174 : i32 to vector<16xi32>
        %gather3A_176 = tpu.vector_load_idx %arg7[%add3A_30, %broadcast_in_dim3A_175] : memref<64x200xi32, #tpu.memory_space<vmem>>[vector<16xi32>, vector<16xi32>], vector<16xi32>,
        %gather3A_177 = tpu.vector_load_idx %arg5[%gather3A_176] : memref<100000xf32, #tpu.memory_space<vmem>>[vector<16xi32>], vector<16xf32>,
        %add3A_178 = arith.addf %add3A_172, %gather3A_177 : vector<16xf32>
        %add3A_179 = arith.constant 21 : i32
        %add3A_180 = arith.addi %mul3A_53, %add3A_179 : i32
        %broadcast_in_dim3A_181 = vector.broadcast %add3A_180 : i32 to vector<16xi32>
        %gather3A_182 = tpu.vector_load_idx %arg7[%add3A_30, %broadcast_in_dim3A_181] : memref<64x200xi32, #tpu.memory_space<vmem>>[vector<16xi32>, vector<16xi32>], vector<16xi32>,
        %gather3A_183 = tpu.vector_load_idx %arg5[%gather3A_182] : memref<100000xf32, #tpu.memory_space<vmem>>[vector<16xi32>], vector<16xf32>,
        %add3A_184 = arith.addf %add3A_178, %gather3A_183 : vector<16xf32>
        %add3A_185 = arith.constant 22 : i32
        %add3A_186 = arith.addi %mul3A_53, %add3A_185 : i32
        %broadcast_in_dim3A_187 = vector.broadcast %add3A_186 : i32 to vector<16xi32>
        %gather3A_188 = tpu.vector_load_idx %arg7[%add3A_30, %broadcast_in_dim3A_187] : memref<64x200xi32, #tpu.memory_space<vmem>>[vector<16xi32>, vector<16xi32>], vector<16xi32>,
        %gather3A_189 = tpu.vector_load_idx %arg5[%gather3A_188] : memref<100000xf32, #tpu.memory_space<vmem>>[vector<16xi32>], vector<16xf32>,
        %add3A_190 = arith.addf %add3A_184, %gather3A_189 : vector<16xf32>
        %add3A_191 = arith.constant 23 : i32
        %add3A_192 = arith.addi %mul3A_53, %add3A_191 : i32
        %broadcast_in_dim3A_193 = vector.broadcast %add3A_192 : i32 to vector<16xi32>
        %gather3A_194 = tpu.vector_load_idx %arg7[%add3A_30, %broadcast_in_dim3A_193] : memref<64x200xi32, #tpu.memory_space<vmem>>[vector<16xi32>, vector<16xi32>], vector<16xi32>,
        %gather3A_195 = tpu.vector_load_idx %arg5[%gather3A_194] : memref<100000xf32, #tpu.memory_space<vmem>>[vector<16xi32>], vector<16xf32>,
        %add3A_196 = arith.addf %add3A_190, %gather3A_195 : vector<16xf32>
        %add3A_197 = arith.constant 24 : i32
        %add3A_198 = arith.addi %mul3A_53, %add3A_197 : i32
        %broadcast_in_dim3A_199 = vector.broadcast %add3A_198 : i32 to vector<16xi32>
        %gather3A_200 = tpu.vector_load_idx %arg7[%add3A_30, %broadcast_in_dim3A_199] : memref<64x200xi32, #tpu.memory_space<vmem>>[vector<16xi32>, vector<16xi32>], vector<16xi32>,
        %gather3A_201 = tpu.vector_load_idx %arg5[%gather3A_200] : memref<100000xf32, #tpu.memory_space<vmem>>[vector<16xi32>], vector<16xf32>,
        %add3A_202 = arith.addf %add3A_196, %gather3A_201 : vector<16xf32>
        scf.yield %add3A_202 : vector<16xf32>
      }
      %scan3A_37 = arith.constant 8 : i32
      %neg3A = arith.constant 0.000000e+00 : f32
      %neg3A_38 = vector.broadcast %neg3A : f32 to vector<16xf32>
      %neg3A_39 = arith.subf %neg3A_38, %scan3A_36 : vector<16xf32>
      %exp3A = math.exp %neg3A_39 : vector<16xf32>
      %add3A_40 = arith.constant 1.000000e+00 : f32
      %add3A_41 = vector.broadcast %add3A_40 : f32 to vector<16xf32>
      %add3A_42 = arith.addf %add3A_41, %exp3A : vector<16xf32>
      %div3A = arith.constant 1.000000e+00 : f32
      %div3A_43 = vector.broadcast %div3A : f32 to vector<16xf32>
      %div3A_44 = arith.divf %div3A_43, %add3A_42 : vector<16xf32>
      %mul3A_45 = arith.constant 16 : i32
      %mul3A_46 = arith.muli %scan3A_26, %mul3A_45 : i32
      %add3A_47 = arith.constant 0 : i32
      %add3A_48 = arith.addi %add3A_47, %mul3A_46 : i32
      %swap3A = arith.index_cast %add3A_48 : i32 to index
      %swap3A_49 = tpu.vector_load %arg8[%swap3A] {strides = array<i32>} : memref<128xf32, #tpu.memory_space<vmem>>, vector<16xf32>,
      tpu.vector_store %arg8[%swap3A], %div3A_44 {strides = array<i32>} : memref<128xf32, #tpu.memory_space<vmem>>, vector<16xf32>,
    }
    %scan3A_17 = arith.constant 4 : i32
    %add3A_18 = arith.constant 64 : i32
    %add3A_19 = arith.addi %mul3A_2, %add3A_18 : i32
    "tpu.region"() ({
      %run_scoped3A = tpu.sem_alloc : memref<!tpu.dma_semaphore, #tpu.memory_space<semaphore_mem>>
      %dma_start3A_26 = arith.constant 0 : i32
      %dma_start3A_27 = tpu.memref_slice %arg3[%add3A_19, %dma_start3A_26] : memref<4096x200xi32, #tpu.memory_space<hbm>> -> memref<64x200xi32, #tpu.memory_space<hbm>>
      %dma_start3A_28 = arith.constant 0 : i32
      %dma_start3A_29 = tpu.memref_slice %arg3[%add3A_19, %dma_start3A_28] : memref<4096x200xi32, #tpu.memory_space<hbm>> -> memref<64x200xi32, #tpu.memory_space<hbm>>
      tpu.enqueue_dma source(%dma_start3A_29 : memref<64x200xi32, #tpu.memory_space<hbm>>) target(%arg7 : memref<64x200xi32, #tpu.memory_space<vmem>>) target_semaphore(%run_scoped3A : memref<!tpu.dma_semaphore, #tpu.memory_space<semaphore_mem>>)
      %dma_wait3A_30 = arith.constant 0 : i32
      %dma_wait3A_31 = tpu.memref_slice %arg3[%add3A_19, %dma_wait3A_30] : memref<4096x200xi32, #tpu.memory_space<hbm>> -> memref<64x200xi32, #tpu.memory_space<hbm>>
      %dma_wait3A_32 = arith.constant 0 : i32
      %dma_wait3A_33 = tpu.memref_slice %arg3[%add3A_19, %dma_wait3A_32] : memref<4096x200xi32, #tpu.memory_space<hbm>> -> memref<64x200xi32, #tpu.memory_space<hbm>>
      tpu.wait_dma2 semaphore(%run_scoped3A : memref<!tpu.dma_semaphore, #tpu.memory_space<semaphore_mem>>) src(%dma_wait3A_33 : memref<64x200xi32, #tpu.memory_space<hbm>>) dst(%arg7 : memref<64x200xi32, #tpu.memory_space<vmem>>)
      tpu.yield
    }) : () -> ()
    %scan3A_20 = arith.constant 0 : i32
    %scan3A_21 = arith.constant 0 : i32
    %scan3A_22 = arith.constant 4 : i32
    %scan3A_23 = arith.addi %scan3A_21, %scan3A_22 : i32
    %scan3A_24 = arith.constant 1 : i32
    scf.for %scan3A_26 = %scan3A_21 to %scan3A_23 step %scan3A_24  : i32 {
      %mul3A_27 = arith.constant 16 : i32
      %mul3A_28 = arith.muli %scan3A_26, %mul3A_27 : i32
      %add3A_29 = vector.broadcast %mul3A_28 : i32 to vector<16xi32>
      %add3A_30 = arith.addi %iota3A, %add3A_29 : vector<16xi32>
      %broadcast_in_dim3A = arith.constant 0.000000e+00 : f32
      %broadcast_in_dim3A_31 = vector.broadcast %broadcast_in_dim3A : f32 to vector<16xf32>
      %scan3A_32 = arith.constant 0 : i32
      %scan3A_33 = arith.constant 8 : i32
      %scan3A_34 = arith.addi %scan3A_32, %scan3A_33 : i32
      %scan3A_35 = arith.constant 1 : i32
      %scan3A_36 = scf.for %scan3A_50 = %scan3A_32 to %scan3A_34 step %scan3A_35 iter_args(%scan3A_51 = %broadcast_in_dim3A_31) -> (vector<16xf32>)  : i32 {
        %mul3A_52 = arith.constant 25 : i32
        %mul3A_53 = arith.muli %scan3A_50, %mul3A_52 : i32
        %add3A_54 = arith.constant 0 : i32
        %add3A_55 = arith.addi %mul3A_53, %add3A_54 : i32
        %broadcast_in_dim3A_56 = vector.broadcast %add3A_55 : i32 to vector<16xi32>
        %gather3A = tpu.vector_load_idx %arg7[%add3A_30, %broadcast_in_dim3A_56] : memref<64x200xi32, #tpu.memory_space<vmem>>[vector<16xi32>, vector<16xi32>], vector<16xi32>,
        %gather3A_57 = tpu.vector_load_idx %arg5[%gather3A] : memref<100000xf32, #tpu.memory_space<vmem>>[vector<16xi32>], vector<16xf32>,
        %add3A_58 = arith.addf %scan3A_51, %gather3A_57 : vector<16xf32>
        %add3A_59 = arith.constant 1 : i32
        %add3A_60 = arith.addi %mul3A_53, %add3A_59 : i32
        %broadcast_in_dim3A_61 = vector.broadcast %add3A_60 : i32 to vector<16xi32>
        %gather3A_62 = tpu.vector_load_idx %arg7[%add3A_30, %broadcast_in_dim3A_61] : memref<64x200xi32, #tpu.memory_space<vmem>>[vector<16xi32>, vector<16xi32>], vector<16xi32>,
        %gather3A_63 = tpu.vector_load_idx %arg5[%gather3A_62] : memref<100000xf32, #tpu.memory_space<vmem>>[vector<16xi32>], vector<16xf32>,
        %add3A_64 = arith.addf %add3A_58, %gather3A_63 : vector<16xf32>
        %add3A_65 = arith.constant 2 : i32
        %add3A_66 = arith.addi %mul3A_53, %add3A_65 : i32
        %broadcast_in_dim3A_67 = vector.broadcast %add3A_66 : i32 to vector<16xi32>
        %gather3A_68 = tpu.vector_load_idx %arg7[%add3A_30, %broadcast_in_dim3A_67] : memref<64x200xi32, #tpu.memory_space<vmem>>[vector<16xi32>, vector<16xi32>], vector<16xi32>,
        %gather3A_69 = tpu.vector_load_idx %arg5[%gather3A_68] : memref<100000xf32, #tpu.memory_space<vmem>>[vector<16xi32>], vector<16xf32>,
        %add3A_70 = arith.addf %add3A_64, %gather3A_69 : vector<16xf32>
        %add3A_71 = arith.constant 3 : i32
        %add3A_72 = arith.addi %mul3A_53, %add3A_71 : i32
        %broadcast_in_dim3A_73 = vector.broadcast %add3A_72 : i32 to vector<16xi32>
        %gather3A_74 = tpu.vector_load_idx %arg7[%add3A_30, %broadcast_in_dim3A_73] : memref<64x200xi32, #tpu.memory_space<vmem>>[vector<16xi32>, vector<16xi32>], vector<16xi32>,
        %gather3A_75 = tpu.vector_load_idx %arg5[%gather3A_74] : memref<100000xf32, #tpu.memory_space<vmem>>[vector<16xi32>], vector<16xf32>,
        %add3A_76 = arith.addf %add3A_70, %gather3A_75 : vector<16xf32>
        %add3A_77 = arith.constant 4 : i32
        %add3A_78 = arith.addi %mul3A_53, %add3A_77 : i32
        %broadcast_in_dim3A_79 = vector.broadcast %add3A_78 : i32 to vector<16xi32>
        %gather3A_80 = tpu.vector_load_idx %arg7[%add3A_30, %broadcast_in_dim3A_79] : memref<64x200xi32, #tpu.memory_space<vmem>>[vector<16xi32>, vector<16xi32>], vector<16xi32>,
        %gather3A_81 = tpu.vector_load_idx %arg5[%gather3A_80] : memref<100000xf32, #tpu.memory_space<vmem>>[vector<16xi32>], vector<16xf32>,
        %add3A_82 = arith.addf %add3A_76, %gather3A_81 : vector<16xf32>
        %add3A_83 = arith.constant 5 : i32
        %add3A_84 = arith.addi %mul3A_53, %add3A_83 : i32
        %broadcast_in_dim3A_85 = vector.broadcast %add3A_84 : i32 to vector<16xi32>
        %gather3A_86 = tpu.vector_load_idx %arg7[%add3A_30, %broadcast_in_dim3A_85] : memref<64x200xi32, #tpu.memory_space<vmem>>[vector<16xi32>, vector<16xi32>], vector<16xi32>,
        %gather3A_87 = tpu.vector_load_idx %arg5[%gather3A_86] : memref<100000xf32, #tpu.memory_space<vmem>>[vector<16xi32>], vector<16xf32>,
        %add3A_88 = arith.addf %add3A_82, %gather3A_87 : vector<16xf32>
        %add3A_89 = arith.constant 6 : i32
        %add3A_90 = arith.addi %mul3A_53, %add3A_89 : i32
        %broadcast_in_dim3A_91 = vector.broadcast %add3A_90 : i32 to vector<16xi32>
        %gather3A_92 = tpu.vector_load_idx %arg7[%add3A_30, %broadcast_in_dim3A_91] : memref<64x200xi32, #tpu.memory_space<vmem>>[vector<16xi32>, vector<16xi32>], vector<16xi32>,
        %gather3A_93 = tpu.vector_load_idx %arg5[%gather3A_92] : memref<100000xf32, #tpu.memory_space<vmem>>[vector<16xi32>], vector<16xf32>,
        %add3A_94 = arith.addf %add3A_88, %gather3A_93 : vector<16xf32>
        %add3A_95 = arith.constant 7 : i32
        %add3A_96 = arith.addi %mul3A_53, %add3A_95 : i32
        %broadcast_in_dim3A_97 = vector.broadcast %add3A_96 : i32 to vector<16xi32>
        %gather3A_98 = tpu.vector_load_idx %arg7[%add3A_30, %broadcast_in_dim3A_97] : memref<64x200xi32, #tpu.memory_space<vmem>>[vector<16xi32>, vector<16xi32>], vector<16xi32>,
        %gather3A_99 = tpu.vector_load_idx %arg5[%gather3A_98] : memref<100000xf32, #tpu.memory_space<vmem>>[vector<16xi32>], vector<16xf32>,
        %add3A_100 = arith.addf %add3A_94, %gather3A_99 : vector<16xf32>
        %add3A_101 = arith.constant 8 : i32
        %add3A_102 = arith.addi %mul3A_53, %add3A_101 : i32
        %broadcast_in_dim3A_103 = vector.broadcast %add3A_102 : i32 to vector<16xi32>
        %gather3A_104 = tpu.vector_load_idx %arg7[%add3A_30, %broadcast_in_dim3A_103] : memref<64x200xi32, #tpu.memory_space<vmem>>[vector<16xi32>, vector<16xi32>], vector<16xi32>,
        %gather3A_105 = tpu.vector_load_idx %arg5[%gather3A_104] : memref<100000xf32, #tpu.memory_space<vmem>>[vector<16xi32>], vector<16xf32>,
        %add3A_106 = arith.addf %add3A_100, %gather3A_105 : vector<16xf32>
        %add3A_107 = arith.constant 9 : i32
        %add3A_108 = arith.addi %mul3A_53, %add3A_107 : i32
        %broadcast_in_dim3A_109 = vector.broadcast %add3A_108 : i32 to vector<16xi32>
        %gather3A_110 = tpu.vector_load_idx %arg7[%add3A_30, %broadcast_in_dim3A_109] : memref<64x200xi32, #tpu.memory_space<vmem>>[vector<16xi32>, vector<16xi32>], vector<16xi32>,
        %gather3A_111 = tpu.vector_load_idx %arg5[%gather3A_110] : memref<100000xf32, #tpu.memory_space<vmem>>[vector<16xi32>], vector<16xf32>,
        %add3A_112 = arith.addf %add3A_106, %gather3A_111 : vector<16xf32>
        %add3A_113 = arith.constant 10 : i32
        %add3A_114 = arith.addi %mul3A_53, %add3A_113 : i32
        %broadcast_in_dim3A_115 = vector.broadcast %add3A_114 : i32 to vector<16xi32>
        %gather3A_116 = tpu.vector_load_idx %arg7[%add3A_30, %broadcast_in_dim3A_115] : memref<64x200xi32, #tpu.memory_space<vmem>>[vector<16xi32>, vector<16xi32>], vector<16xi32>,
        %gather3A_117 = tpu.vector_load_idx %arg5[%gather3A_116] : memref<100000xf32, #tpu.memory_space<vmem>>[vector<16xi32>], vector<16xf32>,
        %add3A_118 = arith.addf %add3A_112, %gather3A_117 : vector<16xf32>
        %add3A_119 = arith.constant 11 : i32
        %add3A_120 = arith.addi %mul3A_53, %add3A_119 : i32
        %broadcast_in_dim3A_121 = vector.broadcast %add3A_120 : i32 to vector<16xi32>
        %gather3A_122 = tpu.vector_load_idx %arg7[%add3A_30, %broadcast_in_dim3A_121] : memref<64x200xi32, #tpu.memory_space<vmem>>[vector<16xi32>, vector<16xi32>], vector<16xi32>,
        %gather3A_123 = tpu.vector_load_idx %arg5[%gather3A_122] : memref<100000xf32, #tpu.memory_space<vmem>>[vector<16xi32>], vector<16xf32>,
        %add3A_124 = arith.addf %add3A_118, %gather3A_123 : vector<16xf32>
        %add3A_125 = arith.constant 12 : i32
        %add3A_126 = arith.addi %mul3A_53, %add3A_125 : i32
        %broadcast_in_dim3A_127 = vector.broadcast %add3A_126 : i32 to vector<16xi32>
        %gather3A_128 = tpu.vector_load_idx %arg7[%add3A_30, %broadcast_in_dim3A_127] : memref<64x200xi32, #tpu.memory_space<vmem>>[vector<16xi32>, vector<16xi32>], vector<16xi32>,
        %gather3A_129 = tpu.vector_load_idx %arg5[%gather3A_128] : memref<100000xf32, #tpu.memory_space<vmem>>[vector<16xi32>], vector<16xf32>,
        %add3A_130 = arith.addf %add3A_124, %gather3A_129 : vector<16xf32>
        %add3A_131 = arith.constant 13 : i32
        %add3A_132 = arith.addi %mul3A_53, %add3A_131 : i32
        %broadcast_in_dim3A_133 = vector.broadcast %add3A_132 : i32 to vector<16xi32>
        %gather3A_134 = tpu.vector_load_idx %arg7[%add3A_30, %broadcast_in_dim3A_133] : memref<64x200xi32, #tpu.memory_space<vmem>>[vector<16xi32>, vector<16xi32>], vector<16xi32>,
        %gather3A_135 = tpu.vector_load_idx %arg5[%gather3A_134] : memref<100000xf32, #tpu.memory_space<vmem>>[vector<16xi32>], vector<16xf32>,
        %add3A_136 = arith.addf %add3A_130, %gather3A_135 : vector<16xf32>
        %add3A_137 = arith.constant 14 : i32
        %add3A_138 = arith.addi %mul3A_53, %add3A_137 : i32
        %broadcast_in_dim3A_139 = vector.broadcast %add3A_138 : i32 to vector<16xi32>
        %gather3A_140 = tpu.vector_load_idx %arg7[%add3A_30, %broadcast_in_dim3A_139] : memref<64x200xi32, #tpu.memory_space<vmem>>[vector<16xi32>, vector<16xi32>], vector<16xi32>,
        %gather3A_141 = tpu.vector_load_idx %arg5[%gather3A_140] : memref<100000xf32, #tpu.memory_space<vmem>>[vector<16xi32>], vector<16xf32>,
        %add3A_142 = arith.addf %add3A_136, %gather3A_141 : vector<16xf32>
        %add3A_143 = arith.constant 15 : i32
        %add3A_144 = arith.addi %mul3A_53, %add3A_143 : i32
        %broadcast_in_dim3A_145 = vector.broadcast %add3A_144 : i32 to vector<16xi32>
        %gather3A_146 = tpu.vector_load_idx %arg7[%add3A_30, %broadcast_in_dim3A_145] : memref<64x200xi32, #tpu.memory_space<vmem>>[vector<16xi32>, vector<16xi32>], vector<16xi32>,
        %gather3A_147 = tpu.vector_load_idx %arg5[%gather3A_146] : memref<100000xf32, #tpu.memory_space<vmem>>[vector<16xi32>], vector<16xf32>,
        %add3A_148 = arith.addf %add3A_142, %gather3A_147 : vector<16xf32>
        %add3A_149 = arith.constant 16 : i32
        %add3A_150 = arith.addi %mul3A_53, %add3A_149 : i32
        %broadcast_in_dim3A_151 = vector.broadcast %add3A_150 : i32 to vector<16xi32>
        %gather3A_152 = tpu.vector_load_idx %arg7[%add3A_30, %broadcast_in_dim3A_151] : memref<64x200xi32, #tpu.memory_space<vmem>>[vector<16xi32>, vector<16xi32>], vector<16xi32>,
        %gather3A_153 = tpu.vector_load_idx %arg5[%gather3A_152] : memref<100000xf32, #tpu.memory_space<vmem>>[vector<16xi32>], vector<16xf32>,
        %add3A_154 = arith.addf %add3A_148, %gather3A_153 : vector<16xf32>
        %add3A_155 = arith.constant 17 : i32
        %add3A_156 = arith.addi %mul3A_53, %add3A_155 : i32
        %broadcast_in_dim3A_157 = vector.broadcast %add3A_156 : i32 to vector<16xi32>
        %gather3A_158 = tpu.vector_load_idx %arg7[%add3A_30, %broadcast_in_dim3A_157] : memref<64x200xi32, #tpu.memory_space<vmem>>[vector<16xi32>, vector<16xi32>], vector<16xi32>,
        %gather3A_159 = tpu.vector_load_idx %arg5[%gather3A_158] : memref<100000xf32, #tpu.memory_space<vmem>>[vector<16xi32>], vector<16xf32>,
        %add3A_160 = arith.addf %add3A_154, %gather3A_159 : vector<16xf32>
        %add3A_161 = arith.constant 18 : i32
        %add3A_162 = arith.addi %mul3A_53, %add3A_161 : i32
        %broadcast_in_dim3A_163 = vector.broadcast %add3A_162 : i32 to vector<16xi32>
        %gather3A_164 = tpu.vector_load_idx %arg7[%add3A_30, %broadcast_in_dim3A_163] : memref<64x200xi32, #tpu.memory_space<vmem>>[vector<16xi32>, vector<16xi32>], vector<16xi32>,
        %gather3A_165 = tpu.vector_load_idx %arg5[%gather3A_164] : memref<100000xf32, #tpu.memory_space<vmem>>[vector<16xi32>], vector<16xf32>,
        %add3A_166 = arith.addf %add3A_160, %gather3A_165 : vector<16xf32>
        %add3A_167 = arith.constant 19 : i32
        %add3A_168 = arith.addi %mul3A_53, %add3A_167 : i32
        %broadcast_in_dim3A_169 = vector.broadcast %add3A_168 : i32 to vector<16xi32>
        %gather3A_170 = tpu.vector_load_idx %arg7[%add3A_30, %broadcast_in_dim3A_169] : memref<64x200xi32, #tpu.memory_space<vmem>>[vector<16xi32>, vector<16xi32>], vector<16xi32>,
        %gather3A_171 = tpu.vector_load_idx %arg5[%gather3A_170] : memref<100000xf32, #tpu.memory_space<vmem>>[vector<16xi32>], vector<16xf32>,
        %add3A_172 = arith.addf %add3A_166, %gather3A_171 : vector<16xf32>
        %add3A_173 = arith.constant 20 : i32
        %add3A_174 = arith.addi %mul3A_53, %add3A_173 : i32
        %broadcast_in_dim3A_175 = vector.broadcast %add3A_174 : i32 to vector<16xi32>
        %gather3A_176 = tpu.vector_load_idx %arg7[%add3A_30, %broadcast_in_dim3A_175] : memref<64x200xi32, #tpu.memory_space<vmem>>[vector<16xi32>, vector<16xi32>], vector<16xi32>,
        %gather3A_177 = tpu.vector_load_idx %arg5[%gather3A_176] : memref<100000xf32, #tpu.memory_space<vmem>>[vector<16xi32>], vector<16xf32>,
        %add3A_178 = arith.addf %add3A_172, %gather3A_177 : vector<16xf32>
        %add3A_179 = arith.constant 21 : i32
        %add3A_180 = arith.addi %mul3A_53, %add3A_179 : i32
        %broadcast_in_dim3A_181 = vector.broadcast %add3A_180 : i32 to vector<16xi32>
        %gather3A_182 = tpu.vector_load_idx %arg7[%add3A_30, %broadcast_in_dim3A_181] : memref<64x200xi32, #tpu.memory_space<vmem>>[vector<16xi32>, vector<16xi32>], vector<16xi32>,
        %gather3A_183 = tpu.vector_load_idx %arg5[%gather3A_182] : memref<100000xf32, #tpu.memory_space<vmem>>[vector<16xi32>], vector<16xf32>,
        %add3A_184 = arith.addf %add3A_178, %gather3A_183 : vector<16xf32>
        %add3A_185 = arith.constant 22 : i32
        %add3A_186 = arith.addi %mul3A_53, %add3A_185 : i32
        %broadcast_in_dim3A_187 = vector.broadcast %add3A_186 : i32 to vector<16xi32>
        %gather3A_188 = tpu.vector_load_idx %arg7[%add3A_30, %broadcast_in_dim3A_187] : memref<64x200xi32, #tpu.memory_space<vmem>>[vector<16xi32>, vector<16xi32>], vector<16xi32>,
        %gather3A_189 = tpu.vector_load_idx %arg5[%gather3A_188] : memref<100000xf32, #tpu.memory_space<vmem>>[vector<16xi32>], vector<16xf32>,
        %add3A_190 = arith.addf %add3A_184, %gather3A_189 : vector<16xf32>
        %add3A_191 = arith.constant 23 : i32
        %add3A_192 = arith.addi %mul3A_53, %add3A_191 : i32
        %broadcast_in_dim3A_193 = vector.broadcast %add3A_192 : i32 to vector<16xi32>
        %gather3A_194 = tpu.vector_load_idx %arg7[%add3A_30, %broadcast_in_dim3A_193] : memref<64x200xi32, #tpu.memory_space<vmem>>[vector<16xi32>, vector<16xi32>], vector<16xi32>,
        %gather3A_195 = tpu.vector_load_idx %arg5[%gather3A_194] : memref<100000xf32, #tpu.memory_space<vmem>>[vector<16xi32>], vector<16xf32>,
        %add3A_196 = arith.addf %add3A_190, %gather3A_195 : vector<16xf32>
        %add3A_197 = arith.constant 24 : i32
        %add3A_198 = arith.addi %mul3A_53, %add3A_197 : i32
        %broadcast_in_dim3A_199 = vector.broadcast %add3A_198 : i32 to vector<16xi32>
        %gather3A_200 = tpu.vector_load_idx %arg7[%add3A_30, %broadcast_in_dim3A_199] : memref<64x200xi32, #tpu.memory_space<vmem>>[vector<16xi32>, vector<16xi32>], vector<16xi32>,
        %gather3A_201 = tpu.vector_load_idx %arg5[%gather3A_200] : memref<100000xf32, #tpu.memory_space<vmem>>[vector<16xi32>], vector<16xf32>,
        %add3A_202 = arith.addf %add3A_196, %gather3A_201 : vector<16xf32>
        scf.yield %add3A_202 : vector<16xf32>
      }
      %scan3A_37 = arith.constant 8 : i32
      %neg3A = arith.constant 0.000000e+00 : f32
      %neg3A_38 = vector.broadcast %neg3A : f32 to vector<16xf32>
      %neg3A_39 = arith.subf %neg3A_38, %scan3A_36 : vector<16xf32>
      %exp3A = math.exp %neg3A_39 : vector<16xf32>
      %add3A_40 = arith.constant 1.000000e+00 : f32
      %add3A_41 = vector.broadcast %add3A_40 : f32 to vector<16xf32>
      %add3A_42 = arith.addf %add3A_41, %exp3A : vector<16xf32>
      %div3A = arith.constant 1.000000e+00 : f32
      %div3A_43 = vector.broadcast %div3A : f32 to vector<16xf32>
      %div3A_44 = arith.divf %div3A_43, %add3A_42 : vector<16xf32>
      %mul3A_45 = arith.constant 16 : i32
      %mul3A_46 = arith.muli %scan3A_26, %mul3A_45 : i32
      %add3A_47 = arith.constant 64 : i32
      %add3A_48 = arith.addi %add3A_47, %mul3A_46 : i32
      %swap3A = arith.index_cast %add3A_48 : i32 to index
      %swap3A_49 = tpu.vector_load %arg8[%swap3A] {strides = array<i32>} : memref<128xf32, #tpu.memory_space<vmem>>, vector<16xf32>,
      tpu.vector_store %arg8[%swap3A], %div3A_44 {strides = array<i32>} : memref<128xf32, #tpu.memory_space<vmem>>, vector<16xf32>,
    }
    %scan3A_25 = arith.constant 4 : i32
    "tpu.region"() ({
      %run_scoped3A = tpu.sem_alloc : memref<!tpu.dma_semaphore, #tpu.memory_space<semaphore_mem>>
      %dma_start3A_26 = tpu.memref_slice %arg4[%mul3A_2] : memref<4096xf32, #tpu.memory_space<hbm>> -> memref<128xf32, #tpu.memory_space<hbm>>
      %dma_start3A_27 = tpu.memref_slice %arg4[%mul3A_2] : memref<4096xf32, #tpu.memory_space<hbm>> -> memref<128xf32, #tpu.memory_space<hbm>>
      tpu.enqueue_dma source(%arg8 : memref<128xf32, #tpu.memory_space<vmem>>) target(%dma_start3A_27 : memref<128xf32, #tpu.memory_space<hbm>>) target_semaphore(%run_scoped3A : memref<!tpu.dma_semaphore, #tpu.memory_space<semaphore_mem>>)
      %dma_wait3A_28 = tpu.memref_slice %arg4[%mul3A_2] : memref<4096xf32, #tpu.memory_space<hbm>> -> memref<128xf32, #tpu.memory_space<hbm>>
      %dma_wait3A_29 = tpu.memref_slice %arg4[%mul3A_2] : memref<4096xf32, #tpu.memory_space<hbm>> -> memref<128xf32, #tpu.memory_space<hbm>>
      tpu.wait_dma2 semaphore(%run_scoped3A : memref<!tpu.dma_semaphore, #tpu.memory_space<semaphore_mem>>) src(%arg8 : memref<128xf32, #tpu.memory_space<vmem>>) dst(%dma_wait3A_29 : memref<128xf32, #tpu.memory_space<hbm>>)
      tpu.yield
    }) : () -> ()
    return
  }
}

module attributes {stable_mosaic.version = 14 : i64} {
  func.func @_fold_body(%arg0: i32, %arg1: memref<20000x128xf32, #tpu.memory_space<vmem>>, %arg2: memref<1x128xf32, #tpu.memory_space<vmem>>, %arg3: memref<1x1xf32, #tpu.memory_space<vmem>>, %arg4: memref<1x1x20000xf32, #tpu.memory_space<vmem>>) attributes {dimension_semantics = [#tpu.dimension_semantics<arbitrary>], iteration_bounds = array<i64: 5>, scalar_prefetch = 0 : i64, scratch_operands = 0 : i64, tpu.core_type = #tpu.core_type<tc>, window_params = [{transform_indices = @transform_0, window_bounds = array<i64: 20000, 128>}, {pipeline_mode = #tpu.pipeline_mode<synchronous>, transform_indices = @transform_1, window_bounds = array<i64: 1, 128>}, {pipeline_mode = #tpu.pipeline_mode<synchronous>, transform_indices = @transform_2, window_bounds = array<i64: 1, 1>}, {transform_indices = @transform_3, window_bounds = array<i64: 1, 1, 20000>}]} {
    %get3A = arith.constant 0 : index
    %get3A_0 = arith.constant 0 : index
    %get3A_1 = vector.load %arg1[%get3A, %get3A_0] : memref<20000x128xf32, #tpu.memory_space<vmem>>, vector<20000x128xf32>
    %get3A_2 = arith.constant 0 : index
    %get3A_3 = arith.constant 0 : index
    %get3A_4 = vector.load %arg2[%get3A_2, %get3A_3] : memref<1x128xf32, #tpu.memory_space<vmem>>, vector<1x128xf32>
    %dot_general3A = arith.constant dense<0.000000e+00> : vector<1x20000xf32>
    %dot_general3A_5 = tpu.matmul %get3A_4, %get3A_1, %dot_general3A {dimension_numbers = #tpu.dot_dimension_numbers<[1], [1], [0], [0], [0, 0, 1, 0], [], []>, transpose_lhs_hint = false} : vector<1x128xf32>, vector<20000x128xf32>, vector<1x20000xf32> -> vector<1x20000xf32>
    %squeeze3A = vector.shape_cast %dot_general3A_5 : vector<1x20000xf32> to vector<20000xf32>
    %get3A_6 = arith.constant 0 : index
    %get3A_7 = arith.constant 0 : index
    %get3A_8 = vector.load %arg3[%get3A_6, %get3A_7] : memref<1x1xf32, #tpu.memory_space<vmem>>, vector<1x1xf32>
    %get3A_9 = vector.extract %get3A_8[0, 0] : f32 from vector<1x1xf32>
    %add3A = vector.broadcast %get3A_9 : f32 to vector<20000xf32>
    %add3A_10 = arith.addf %squeeze3A, %add3A : vector<20000xf32>
    %mul3A = arith.constant 5.000000e-03 : f32
    %mul3A_11 = vector.broadcast %mul3A : f32 to vector<20000xf32>
    %mul3A_12 = arith.mulf %add3A_10, %mul3A_11 : vector<20000xf32>
    %swap3A = arith.constant 0 : index
    %swap3A_13 = arith.constant 0 : index
    %swap3A_14 = arith.constant 0 : index
    %swap3A_15 = vector.load %arg4[%swap3A, %swap3A_13, %swap3A_14] : memref<1x1x20000xf32, #tpu.memory_space<vmem>>, vector<1x1x20000xf32>
    %swap3A_16 = vector.shape_cast %swap3A_15 : vector<1x1x20000xf32> to vector<20000xf32>
    %swap3A_17 = vector.shape_cast %mul3A_12 : vector<20000xf32> to vector<1x1x20000xf32>
    tpu.vector_store %arg4[%swap3A, %swap3A_13, %swap3A_14], %swap3A_17 {strides = array<i32>} : memref<1x1x20000xf32, #tpu.memory_space<vmem>>, vector<1x1x20000xf32>,
    return
  }
  func.func @transform_0(%arg0: i32) -> (i32, i32) {
    %c0_i32 = arith.constant 0 : i32
    %c0_i32_0 = arith.constant 0 : i32
    return %arg0, %c0_i32 : i32, i32
  }
  func.func @transform_1(%arg0: i32) -> (i32, i32) {
    %c0_i32 = arith.constant 0 : i32
    %c0_i32_0 = arith.constant 0 : i32
    %c0_i32_1 = arith.constant 0 : i32
    return %c0_i32, %c0_i32_0 : i32, i32
  }
  func.func @transform_2(%arg0: i32) -> (i32, i32) {
    %c0_i32 = arith.constant 0 : i32
    %c0_i32_0 = arith.constant 0 : i32
    %c0_i32_1 = arith.constant 0 : i32
    return %c0_i32, %c0_i32_0 : i32, i32
  }
  func.func @transform_3(%arg0: i32) -> (i32, i32, i32) {
    %c0_i32 = arith.constant 0 : i32
    %c0_i32_0 = arith.constant 0 : i32
    %c0_i32_1 = arith.constant 0 : i32
    return %arg0, %c0_i32, %c0_i32_0 : i32, i32, i32
  }
}

</mosaic_0001>

<sc_bundles>
// kernel: kernel.4.cloned.1.call-start
scs
__scs_entry_jumppad:
0x0: {  	(pc) =	sbr.rel $0x88, $3  }
0x1: {  	(tag) =	ssettag $0x0;
	lr =	simm.s32 $0x1  }
0x2: {  	[smem:$0x3F9D] =	sst lr;
	_ =	strace $0xD0000000  }
0x3: {  	_ = 	snop  }
0x4: {  	_ = 	snop  }
0x5: {  	_ = 	snop  }
0x6: {  	_ = 	snop  }
0x7: {  	_ = 	snop  }
__scs_overlays_trampoline_lowered:
0x8: {  	[smem:$0x3FAC] =	sst s0  }
0x9: {  	[smem:$0x3FAD] =	sst s1  }
0xa: {  	[smem:$0x3FAE] =	sst s2  }
0xb: {  	[smem:$0x3FAF] =	sst s3  }
0xc: {  	[smem:$0x3FB0] =	sst s4  }
0xd: {  	[smem:$0x3FB1] =	sst s5  }
0xe: {  	[smem:$0x3FB2] =	sst s6  }
0xf: {  	[smem:$0x3FB3] =	sst s7  }
0x10: {  	[smem:$0x3FB4] =	sst s8  }
0x11: {  	[smem:$0x3FB5] =	sst s9;
	s0 =	simm.s32 @!p0 $0x0  }
0x12: {  	s1 =	sld [smem:$0x3F9B];
	s0 =	simm.s32 @p0 $0x1  }
0x13: {  	[smem:$0x3FB6] =	sst s0;
	s0 =	simm.s32 @!p1 $0x0  }
0x14: {  	s2 =	sld [smem:$0x3F9A];
	s0 =	simm.s32 @p1 $0x1  }
0x15: {  	[smem:$0x3FB7] =	sst s0;
	s0 =	simm.s32 @!p2 $0x0  }
0x16: {  	s3 =	sld [smem:$0x3FDB];
	s0 =	simm.s32 @p2 $0x1  }
0x17: {  	s4 =	simm.s32 $0x1BF5;
	[smem:$0x3FB9] =	sst s0  }
0x18: {  	s0 =	sld [smem:$0x3F9C];
	_ =	swait.ge [sflag:s4], $0x0  }
0x19: {  	s7 =	sld [smem:$0x3F9D]  }
0x1a: {  	s8 =	sadd.s32 $0xFFFFE003, lr  }
0x1b: {  	s9 =	sadd.s32 $0xFFFFFEF7, lr;
	s5 =	simm.s32 $0xFFFFFFFF;
	p2 =	slt.u32 s8, $0xFFFFF086  }
0x1c: {  	p1 =	slt.u32 s9, $0xF7A;
	s5 =	simm.s32 @!p2 $0x0  }
0x1d: {  	s5 =	simm.s32 @p1 $0x1;
	p0 =	seq.s32 s7, s2  }
0x1e: {  	s7 =	smul.u32 @!p0 $0xF7A, s2;
	p2 =	seq.s32 @!p0 s5, $0x0  }
0x1f: {  	s9 =	smul.u32 $0xF7A, s1;
	s8 =	simm.s32 @!p0 $0x1BF5;
	p2 =	por !p2, p0  }
0x20: {  	[sflag:s8] =	ssyncset.s32 @!p0 $0xFFFFF086;
	s6 =	sadd.s32 @!p0 s3, s7;
	s7 =	simm.s32 @!p0 $0x108  }
0x21: {  	s3 =	sadd.s32 s3, s9;
	s6 =	sadd.s32 @!p0 $0x88, s6;
	s7 =	simm.s32 @p2 $0x1082  }
0x22: {  	[simem:s7], [sflag:s8] =	dma.local @!p0 [hbm:s6], $0xF7A  }
0x23: {  	s9 =	sor.u32 $0xD0000000, s2;
	s6 =	simm.s32 $0x108;
	_ =	swait.ge @!p0 [sflag:s8], $0x0  }
0x24: {  	s3 =	sadd.s32 $0x88, s3;
	s6 =	simm.s32 @!p1 $0x1082;
	[sflag:s4] =	ssyncset.s32 $0xFFFFF086  }
0x25: {  	[simem:s6], [sflag:s4] =	dma.local [hbm:s3], $0xF7A  }
0x26: {  	[smem:$0x3F9D] =	sst s1;
	(tag) =	ssettag s2;
	_ =	strace s9  }
0x27: {  	s1 =	sld [smem:$0x3FAD]  }
0x28: {  	s2 =	sld [smem:$0x3FAE]  }
0x29: {  	s4 =	sld [smem:$0x3FB0]  }
0x2a: {  	p0 =	seq.s32 s5, $0x0;
	s5 =	sld [smem:$0x3FB1]  }
0x2b: {  	s6 =	sld [smem:$0x3FB2]  }
0x2c: {  	s7 =	sld [smem:$0x3FB3]  }
0x2d: {  	s3 =	simm.s32 $0x108;
	s8 =	sld [smem:$0x3FB4]  }
0x2e: {  	s3 =	simm.s32 @!p0 $0x1082;
	s9 =	sld [smem:$0x3FB5]  }
0x2f: {  	lr =	sadd.s32 s0, s3;
	s0 =	sld [smem:$0x3FAC]  }
0x30: {  	s3 =	sld [smem:$0x3FAF]  }
0x31: {  	[smem:$0x3FB8] =	sst s10  }
0x32: {  	s10 =	sld [smem:$0x3FB6];
	_ =	sdelay $0x3  }
0x33: {  	p0 =	seq.s32 s10, $0x1;
	s10 =	sld [smem:$0x3FB8];
	_ =	sdelay $0x3  }
0x34: {  	[smem:$0x3FB8] =	sst s10  }
0x35: {  	s10 =	sld [smem:$0x3FB7];
	_ =	sdelay $0x3  }
0x36: {  	p1 =	seq.s32 s10, $0x1;
	s10 =	sld [smem:$0x3FB8];
	_ =	sdelay $0x3  }
0x37: {  	[smem:$0x3FB8] =	sst s10  }
0x38: {  	s10 =	sld [smem:$0x3FB9]  }
0x39: {  	_ = 	snop;
	(pc) =	sbr.ind lr, $3  }
0x3a: {  	_ = 	snop  }
0x3b: {  	_ = 	snop  }
0x3c: {  	p2 =	seq.s32 s10, $0x1;
	s10 =	sld [smem:$0x3FB8]  }
0x3d: {  	_ =	shalt  }
0x3e: {  	_ =	shalt  }
0x3f: {  	_ =	shalt  }
0x40: {  	_ =	shalt  }
0x41: {  	_ =	shalt  }
0x42: {  	_ =	shalt  }
0x43: {  	_ =	shalt  }
0x44: {  	_ =	shalt  }
0x45: {  	_ =	shalt  }
0x46: {  	_ =	shalt  }
0x47: {  	_ =	shalt  }
0x48: {  	_ =	shalt  }
0x49: {  	_ =	shalt  }
0x4a: {  	_ =	shalt  }
0x4b: {  	_ =	shalt  }
0x4c: {  	_ =	shalt  }
0x4d: {  	_ =	shalt  }
0x4e: {  	_ =	shalt  }
0x4f: {  	_ =	shalt  }
0x50: {  	_ =	shalt  }
0x51: {  	_ =	shalt  }
0x52: {  	_ =	shalt  }
0x53: {  	_ =	shalt  }
0x54: {  	_ =	shalt  }
0x55: {  	_ =	shalt  }
0x56: {  	_ =	shalt  }
0x57: {  	_ =	shalt  }
0x58: {  	_ =	shalt  }
0x59: {  	_ =	shalt  }
0x5a: {  	_ =	shalt  }
0x5b: {  	_ =	shalt  }
0x5c: {  	_ =	shalt  }
0x5d: {  	_ =	shalt  }
0x5e: {  	_ =	shalt  }
0x5f: {  	_ =	shalt  }
0x60: {  	_ =	shalt  }
0x61: {  	_ =	shalt  }
0x62: {  	_ =	shalt  }
0x63: {  	_ =	shalt  }
0x64: {  	_ =	shalt  }
0x65: {  	_ =	shalt  }
0x66: {  	_ =	shalt  }
0x67: {  	_ =	shalt  }
0x68: {  	_ =	shalt  }
0x69: {  	_ =	shalt  }
0x6a: {  	_ =	shalt  }
0x6b: {  	_ =	shalt  }
0x6c: {  	_ =	shalt  }
0x6d: {  	_ =	shalt  }
0x6e: {  	_ =	shalt  }
0x6f: {  	_ =	shalt  }
0x70: {  	_ =	shalt  }
0x71: {  	_ =	shalt  }
0x72: {  	_ =	shalt  }
0x73: {  	_ =	shalt  }
0x74: {  	_ =	shalt  }
0x75: {  	_ =	shalt  }
0x76: {  	_ =	shalt  }
0x77: {  	_ =	shalt  }
0x78: {  	_ =	shalt  }
0x79: {  	_ =	shalt  }
0x7a: {  	_ =	shalt  }
0x7b: {  	_ =	shalt  }
0x7c: {  	_ =	shalt  }
0x7d: {  	_ =	shalt  }
0x7e: {  	_ =	shalt  }
0x7f: {  	_ =	shalt  }
0x80: {  	_ =	shalt  }
0x81: {  	_ =	shalt  }
0x82: {  	_ =	shalt  }
0x83: {  	_ =	shalt  }
0x84: {  	_ =	shalt  }
0x85: {  	_ =	shalt  }
0x86: {  	_ =	shalt  }
0x87: {  	_ =	shalt  }
.Lfunc_end0:
.L_simem_size_0:
called_computation_lowered:
.L_overlay_start_0:
0x88: {  	s2 =	sld [smem:$0x3FD9]  }
0x89: {  	s3 =	sld [smem:$0x3FFE];
	_ =	sdelay $0x1  }
0x8a: {  	s1 =	srdreg.scid  }
0x8b: {  	s0 =	sand.u32 $0x1, s1  }
0x8c: {  	s17 =	sshll.u32 s0, $0xA;
	s2 =	sadd.s32 s3, s2  }
0x8d: {  	s2 =	sadd.s32 s2, s17  }
0x8e: {  	[smem:$0x3FC4] =	sst s2  }
0x8f: {  	_ = 	snop  }
0x90: {  	s2 =	sld [smem:$0x3FD0];
	(tm) =	ssettm $0x1  }
0x91: {  	s18 =	sld [smem:$0x3FFB];
	_ =	sdelay $0x3  }
0x92: {  	_ =	strace s18  }
0x93: {  	s3 =	sld [smem:$0x3FFC];
	_ =	sdelay $0x3  }
0x94: {  	_ =	strace s3  }
0x95: {  	s3 =	sld [smem:$0x3FFD];
	_ =	sdelay $0x3  }
0x96: {  	_ =	strace s3  }
0x97: {  	_ =	strace $0x8FFFFFFF  }
0x98: {  	s19 =	sld [smem:$0x3FDB];
	_ =	sdelay $0x1  }
0x99: {  	s4 =	simm.s32 $_scs_section_size  }
0x9a: {  	s5 =	simm.s32 $_size__tile_overlayer_lowered;
	s6 =	simm.s32 $_tile_overlayer_lowered  }
0x9b: {  	s22 =	simm.s32 $0x1BFF;
	s21 =	sshll.u32 s6, $0x1;
	s3 =	sadd.s32 s4, s19  }
0x9c: {  	s7 =	simm.s32 $0x0;
	s20 =	sshll.u32 s5, $0x1;
	s5 =	sadd.s32 s21, s3  }
0x9d: {  	[timem:s7], [sflag:s22] =	dma.local [hbm:s5], s20  }
0x9e: {  	_ =	swait.ge [sflag:s22], s20  }
0x9f: {  	s4 =	ssub.s32 $0x0, s20;
	[sflag:s22] =	ssyncset.done $0x0  }
0xa0: {  	[sflag:s22] =	ssyncadd.s32 s4;
	_ =	sdelay $0x1  }
0xa1: {  	s23 =	simm.s32 $0x1B8B  }
0xa2: {  	_ =	swait.ge [sflag:s23], $0x1  }
0xa3: {  	[sflag:s23] =	ssyncset.done $0x0  }
0xa4: {  	s25 =	simm.s32 $0x1B8E;
	s24 =	sld [smem:$0x3FFE];
	[sflag:s23] =	ssyncadd.s32 $0xFFFFFFFF  }
0xa5: {  	s26 =	simm.s32 $execute0_lowered;
	[smem:$0x3FD2] =	sst s25  }
0xa6: {  	s5 =	sshll.u32 s26, $0x1;
	_ =	strace $0x80000046;
	[dreg:$0x1] =	wrdreg $0xFFFFFFFF  }
0xa7: {  	s28 =	simm.s32 $_size_execute0_lowered;
	s3 =	sadd.s32 s3, s5;
	[dreg:$0x0] =	wrdreg $0x0  }
0xa8: {  	s5 =	sshll.u32 s28, $0x1;
	[dreg:$0x2] =	wrdreg s3  }
0xa9: {  	[dreg:$0x3] =	wrdreg s5  }
0xaa: {  	[dreg:$0x4] =	wrdreg $0xC0  }
0xab: {  	_ =	task [dreg:s7], $0x5FFFF  }
0xac: {  	[dreg:$0x1] =	wrdreg $0xFFFFFFFF  }
0xad: {  	[dreg:$0x0] =	wrdreg $0x60  }
0xae: {  	[dreg:$0x2] =	wrdreg s24  }
0xaf: {  	[dreg:$0x3] =	wrdreg s2  }
0xb0: {  	[dreg:$0x4] =	wrdreg $0x187000  }
0xb1: {  	[dreg:$0x5] =	wrdreg $0x9  }
0xb2: {  	_ =	task.clear_ibuf [dreg:s7], $0x6FFFF;
	_ =	strace $0x90000046  }
0xb3: {  	s29 =	simm.s32 $0x9;
	_ =	strace $0x80000048  }
0xb4: {  	_ =	swait.ge [sflag:s29], $0x1  }
0xb5: {  	[sflag:s29] =	ssyncadd.s32 $0xFFFFFFFF  }
0xb6: {  	_ =	strace $0x90000048  }
0xb7: {  	_ =	sfence  }
0xb8: {  	s30 =	sld [smem:$0x0];
	_ =	sdelay $0x2  }
0xb9: {  	s31 =	sshll.u32 s1, $0xD;
	s1 =	sshrl.u32 s1, $0x2  }
0xba: {  	s3 =	sand.u32 $0x4000, s31;
	s1 =	sadd.s32 s1, s30  }
0xbb: {  	s0 =	sor.u32 s3, s0;
	s1 =	sshll.u32 s1, $0x11  }
0xbc: {  	s0 =	sor.u32 s1, s0  }
0xbd: {  	s0 =	sadd.s32 $0x8F2B, s0  }
0xbe: {  	[sflag:s0] =	ssyncadd.remote.s32 $0x1  }
0xbf: {  	_ =	sfence.sel $0xFFFF  }
0xc0: {  	[dreg:$0x0] =	wrdreg $0xFFFFFFFF;
	(pc) =	sbr.abs _section_cstart, $3  }
0xc1: {  	[dreg:$0x1] =	wrdreg $0xFFFFFFFF  }
0xc2: {  	_ =	task.clear_ibuf [dreg:s7], $0x2FFFF;
	_ =	strace $0x9FFFFFFF  }
0xc3: {  	(tm) =	ssettm $0x7FFFFFFF  }
tec
execute0_lowered:
.L_overlay_start_1:
0x0: {  	(tag) =	ssettag $0x1  }
0x1: {  	s4 =	rddreg [dreg:$0x0]  }
0x2: {  	s9 =	rddreg [dreg:$0x1]  }
0x3: {  	s1 =	rddreg [dreg:$0x2]  }
0x4: {  	s0 =	rddreg [dreg:$0x3];
	s3 =	simm.s32 $0x0  }
0x5: {  	s5 =	srdreg.scid;
	s2 =	stileid.u32;
	s12 =	simm.s32 $0x2  }
0x6: {  	s13 =	simm.s32 $0x1;
	s14 =	simm.s32 $0x3;
	s15 =	simm.s32 $0x1DF70  }
0x7: {  	s16 =	simm.s32 $0x0;
	[smem:$0x7FF] =	sst s3;
	s5 =	sand.u32 $0x1, s5  }
0x8: {  	s6 =	smul.u32 $0x9D0, s2;
	s7 =	sshll.u32 s2, $0x8;
	p0 =	sgt.u32 s2, $0x4  }
0x9: {  	s8 =	sshll.u32 s5, $0x7;
	_ =	strace $0x80000047;
	s5 =	ssub.s32 $0x2, s5  }
0xa: {  	s10 =	sor.u32 s8, s7;
	s6 =	sadd.s32 s6, s4;
	s31 =	sshrl.u32 s5, $0x1  }
0xb: {  	s7 =	sshll.u32 s10, $0x5;
	s11 =	ssub.s32 s5, s31;
	s6 =	sadd.s32 $0x20800, s6  }
0xc: {  	v0 =	vlaneseq.u32;
	s10 =	sshrl.u32 s10, $0x3;
	s30 =	sadd.s32 s7, s4;
	s4 =	smul.u32 $0x4E20, s2  }
0xd: {  	v1 =	vand.u32 $0x7, v0;
	s9 =	sadd.s32 s9, s10;
	s10 =	smax.u32 s11, $0x1;
	s11 =	simm.s32 $0x19F70  }
0xe: {  	v0 =	vmul.u32 $0x100, v0;
	v1 =	vmul.u32 $0x80, v1;
	s5 =	sadd.s32 $0x800, s30;
	s8 =	sadd.s32 $0x1000, s30;
	s7 =	sadd.s32 s4, s1  }
.LBB2_1:
0xf: {  	[tilespmem:s11], [sflag:$0x2] =	stream.linear.gather [hbm4b:s5+s3], $0x4000, $0x38;
	[tilespmem:$0x1DFF0] =	vst v63  }
0x10: {  	s17 =	simm.s32 @!p0 $0x0  }
0x11: {  	[tilespmem:s4], [sflag:$0x3] =	stream.linear.gather @!p0 [hbm4b:s6+s17], $0x4E20, $0x38;
	[tilespmem:$0x1DFF0] =	vst v63  }
0x12: {  	s17 =	simm.s32 @!p0 $0x3  }
0x13: {  	_ =	swait.ge @!p0 [sflag:s17], $0x4E20  }
0x14: {  	[sflag:s17] =	ssyncset.done @!p0 $0x0  }
0x15: {  	[sflag:s17] =	ssyncadd.s32 @!p0 $0xFFFFB1E0  }
0x16: {  	[spmem:s7] =	stream.linear.scatter @!p0 [tilespmem:s4], [sflag:$0x3], $0x4E20, $0x38;
	[tilespmem:$0x1DFF0] =	vst v63  }
0x17: {  	_ =	swait.ge @!p0 [sflag:s17], $0x4E20  }
0x18: {  	[sflag:s17] =	ssyncset.done @!p0 $0x0  }
0x19: {  	[sflag:s17] =	ssyncadd.s32 @!p0 $0xFFFFB1E0  }
0x1a: {  	[bflag:$0x0] =	sbarrier.arrive $0xFFFF  }
0x1b: {  	[tilespmem:s3], [sflag:$0x1] =	stream.linear.gather [spmem:s1], $0x18700, $0x38;
	[tilespmem:$0x1DFF0] =	vst v63  }
0x1c: {  	_ =	swait.ge [sflag:s12], $0x4000  }
0x1d: {  	[sflag:s12] =	ssyncset.done $0x0  }
0x1e: {  	[sflag:s12] =	ssyncadd.s32 $0xFFFFC000  }
0x1f: {  	_ =	swait.ge [sflag:s13], $0x18700  }
0x20: {  	[sflag:s13] =	ssyncset.done $0x0  }
0x21: {  	s17 =	simm.s32 $0x0;
	[sflag:s13] =	ssyncadd.s32 $0xFFFE7900  }
.LBB2_2:
0x22: {  	s18 =	sshll.u32 s17, $0x4;
	s19 =	simm.s32 $0x16  }
0x23: {  	v13 =	vimm.f32 $0.0e+00;
	s20 =	simm.s32 $0x18;
	s21 =	simm.s32 $0x17;
	s22 =	simm.s32 $0x14;
	v2 =	vmov s18;
	v5 =	vmov s19  }
0x24: {  	s31 =	simm.s32 $0x15;
	s24 =	simm.s32 $0x12;
	s25 =	simm.s32 $0x13;
	v4 =	vmov s21;
	v3 =	vmov s20;
	v7 =	vmov s22  }
0x25: {  	s26 =	simm.s32 $0xF;
	s23 =	simm.s32 $0x10;
	s28 =	simm.s32 $0xC;
	v6 =	vmov s31;
	v9 =	vmov s24;
	v8 =	vmov s25  }
0x26: {  	s29 =	simm.s32 $0xD;
	s30 =	simm.s32 $0x5;
	v12 =	vmov s26;
	v11 =	vmov s23;
	v14 =	vmov s28  }
0x27: {  	s21 =	simm.s32 $0x11;
	s31 =	simm.s32 $0x6;
	v15 =	vmov s29;
	s23 =	simm.s32 $0x2;
	v16 =	vmov s30;
	v2 =	vshll.u32 v2, $0x8  }
0x28: {  	s24 =	simm.s32 $0x0;
	s25 =	simm.s32 $0x3;
	s26 =	simm.s32 $0x4;
	v10 =	vmov s21;
	v17 =	vmov s31;
	v18 =	vmov s23  }
0x29: {  	s28 =	simm.s32 $0x1;
	v19 =	vmov s24;
	v20 =	vmov s25;
	v21 =	vmov s26  }
0x2a: {  	v23 =	vmov s28;
	v2 =	vor.u32 v0, v2;
	v22 =	vshll.u32 v19, $0x3  }
0x2b: {  	v19 =	vand.u32 $0x7F, v19;
	v2 =	vand.u32 $0x3800, v2;
	v22 =	vand.u32 $0x400, v22  }
0x2c: {  	v2 =	vor.u32 v1, v2;
	v19 =	vor.u32 v22, v19;
	v22 =	vshll.u32 v23, $0x3  }
0x2d: {  	v25 =	vshll.u32 v16, $0x3;
	v19 =	vor.u32 v2, v19;
	v22 =	vand.u32 $0xC00, v22  }
0x2e: {  	v26 =	vshll.u32 v18, $0x3;
	v23 =	vand.u32 $0x7F, v23;
	v22 =	vadd.s32 v2, v22  }
0x2f: {  	v24 =	vand.u32 $0x7F, v21;
	v22 =	vor.u32 v23, v22;
	v23 =	vand.u32 $0xC00, v26  }
0x30: {  	v18 =	vand.u32 $0x7F, v18;
	v26 =	vshll.u32 v20, $0x3;
	v23 =	vadd.s32 v2, v23  }
0x31: {  	v21 =	vshll.u32 v21, $0x3;
	v18 =	vor.u32 v18, v23;
	v23 =	vand.u32 $0xC00, v26  }
0x32: {  	v21 =	vand.u32 $0xC00, v21;
	v20 =	vand.u32 $0x7F, v20;
	v19 =	vld.idx.msk [tilespmem:v19+s11+$0x0], $0xffff;
	v23 =	vadd.s32 v2, v23  }
0x33: {  	v16 =	vand.u32 $0x7F, v16;
	s21 =	simm.s32 $0xE;
	v21 =	vadd.s32 v2, v21;
	v20 =	vor.u32 v20, v23  }
0x34: {  	v29 =	vmov s21;
	v21 =	vor.u32 v24, v21;
	v23 =	vand.u32 $0xC00, v25;
	v22 =	vld.idx.msk [tilespmem:v22+s11+$0x0], $0xffff  }
0x35: {  	s29 =	simm.s32 $0x7;
	v24 =	vshll.u32 v17, $0x3;
	v17 =	vand.u32 $0x7F, v17;
	v23 =	vadd.s32 v2, v23  }
0x36: {  	v16 =	vor.u32 v16, v23;
	v23 =	vand.u32 $0xC00, v24;
	v24 =	vmov s29;
	v18 =	vld.idx.msk [tilespmem:v18+s11+$0x0], $0xffff  }
0x37: {  	s30 =	simm.s32 $0x8;
	v23 =	vadd.s32 v2, v23;
	v25 =	vshll.u32 v24, $0x3;
	v24 =	vand.u32 $0x7F, v24  }
0x38: {  	v17 =	vor.u32 v17, v23;
	v23 =	vand.u32 $0xC00, v25;
	v25 =	vmov s30;
	v20 =	vld.idx.msk [tilespmem:v20+s11+$0x0], $0xffff  }
0x39: {  	s31 =	simm.s32 $0x9;
	v21 =	vld.idx.msk [tilespmem:v21+s11+$0x0], $0xffff;
	v23 =	vadd.s32 v2, v23;
	v26 =	vshll.u32 v25, $0x3;
	v25 =	vand.u32 $0x7F, v25  }
0x3a: {  	v23 =	vor.u32 v24, v23;
	v24 =	vand.u32 $0xC00, v26;
	v26 =	vmov s31;
	v19 =	vld.idx.msk [tilespmem:v19+s3+$0x0], $0xffff  }
0x3b: {  	s20 =	simm.s32 $0xA;
	v24 =	vadd.s32 v2, v24;
	v27 =	vshll.u32 v26, $0x3;
	v16 =	vld.idx.msk [tilespmem:v16+s11+$0x0], $0xffff;
	v26 =	vand.u32 $0x7F, v26  }
0x3c: {  	v24 =	vor.u32 v25, v24;
	v25 =	vand.u32 $0xC00, v27;
	v27 =	vmov s20;
	v22 =	vld.idx.msk [tilespmem:v22+s3+$0x0], $0xffff  }
0x3d: {  	s22 =	simm.s32 $0xB;
	v25 =	vadd.s32 v2, v25;
	v28 =	vshll.u32 v27, $0x3;
	v17 =	vld.idx.msk [tilespmem:v17+s11+$0x0], $0xffff;
	v27 =	vand.u32 $0x7F, v27  }
0x3e: {  	v25 =	vor.u32 v26, v25;
	v26 =	vand.u32 $0xC00, v28;
	v28 =	vmov s22;
	v18 =	vld.idx.msk [tilespmem:v18+s3+$0x0], $0xffff  }
0x3f: {  	v26 =	vadd.s32 v2, v26;
	v23 =	vld.idx.msk [tilespmem:v23+s11+$0x0], $0xffff;
	v30 =	vshll.u32 v28, $0x3;
	v13 =	vadd.f32 v19, v13  }
0x40: {  	v19 =	vor.u32 v27, v26;
	v26 =	vand.u32 $0xC00, v30;
	v27 =	vand.u32 $0x7F, v28;
	v20 =	vld.idx.msk [tilespmem:v20+s3+$0x0], $0xffff  }
0x41: {  	v21 =	vld.idx.msk [tilespmem:v21+s3+$0x0], $0xffff;
	v28 =	vshll.u32 v14, $0x3;
	v26 =	vadd.s32 v2, v26;
	v13 =	vadd.f32 v22, v13  }
0x42: {  	v14 =	vand.u32 $0x7F, v14;
	v24 =	vld.idx.msk [tilespmem:v24+s11+$0x0], $0xffff;
	v22 =	vand.u32 $0xC00, v28;
	v26 =	vor.u32 v27, v26  }
0x43: {  	v27 =	vshll.u32 v15, $0x3;
	v22 =	vadd.s32 v2, v22;
	v25 =	vld.idx.msk [tilespmem:v25+s11+$0x0], $0xffff;
	v13 =	vadd.f32 v18, v13  }
0x44: {  	v15 =	vand.u32 $0x7F, v15;
	v16 =	vld.idx.msk [tilespmem:v16+s3+$0x0], $0xffff;
	v14 =	vor.u32 v14, v22;
	v18 =	vand.u32 $0xC00, v27  }
0x45: {  	v22 =	vshll.u32 v29, $0x3;
	v19 =	vld.idx.msk [tilespmem:v19+s11+$0x0], $0xffff;
	v18 =	vadd.s32 v2, v18;
	v13 =	vadd.f32 v20, v13  }
0x46: {  	v17 =	vld.idx.msk [tilespmem:v17+s3+$0x0], $0xffff;
	v20 =	vand.u32 $0xC00, v22;
	v15 =	vor.u32 v15, v18;
	v18 =	vand.u32 $0x7F, v29  }
0x47: {  	v20 =	vadd.s32 v2, v20;
	v22 =	vld.idx.msk [tilespmem:v26+s11+$0x0], $0xffff;
	v26 =	vshll.u32 v12, $0x3;
	v13 =	vadd.f32 v21, v13  }
0x48: {  	v12 =	vand.u32 $0x7F, v12;
	v18 =	vor.u32 v18, v20;
	v20 =	vld.idx.msk [tilespmem:v23+s3+$0x0], $0xffff;
	v21 =	vand.u32 $0xC00, v26  }
0x49: {  	v23 =	vshll.u32 v11, $0x3;
	v14 =	vld.idx.msk [tilespmem:v14+s11+$0x0], $0xffff;
	v21 =	vadd.s32 v2, v21;
	v13 =	vadd.f32 v16, v13  }
0x4a: {  	v11 =	vand.u32 $0x7F, v11;
	v16 =	vand.u32 $0xC00, v23;
	v23 =	vld.idx.msk [tilespmem:v24+s3+$0x0], $0xffff;
	v12 =	vor.u32 v12, v21  }
0x4b: {  	v21 =	vshll.u32 v10, $0x3;
	v16 =	vadd.s32 v2, v16;
	v15 =	vld.idx.msk [tilespmem:v15+s11+$0x0], $0xffff;
	v13 =	vadd.f32 v17, v13  }
0x4c: {  	v10 =	vand.u32 $0x7F, v10;
	v11 =	vor.u32 v11, v16;
	v16 =	vld.idx.msk [tilespmem:v25+s3+$0x0], $0xffff;
	v17 =	vand.u32 $0xC00, v21  }
0x4d: {  	v21 =	vshll.u32 v9, $0x3;
	v18 =	vld.idx.msk [tilespmem:v18+s11+$0x0], $0xffff;
	v17 =	vadd.s32 v2, v17;
	v13 =	vadd.f32 v20, v13  }
0x4e: {  	v9 =	vand.u32 $0x7F, v9;
	v19 =	vld.idx.msk [tilespmem:v19+s3+$0x0], $0xffff;
	v20 =	vand.u32 $0xC00, v21;
	v10 =	vor.u32 v10, v17  }
0x4f: {  	v17 =	vadd.s32 v2, v20;
	v12 =	vld.idx.msk [tilespmem:v12+s11+$0x0], $0xffff;
	v20 =	vshll.u32 v8, $0x3;
	v13 =	vadd.f32 v23, v13  }
0x50: {  	v21 =	vshll.u32 v7, $0x3;
	v9 =	vor.u32 v9, v17;
	v17 =	vld.idx.msk [tilespmem:v22+s3+$0x0], $0xffff;
	v20 =	vand.u32 $0xC00, v20  }
0x51: {  	v8 =	vand.u32 $0x7F, v8;
	v11 =	vld.idx.msk [tilespmem:v11+s11+$0x0], $0xffff;
	v20 =	vadd.s32 v2, v20;
	v13 =	vadd.f32 v16, v13  }
0x52: {  	v7 =	vand.u32 $0x7F, v7;
	v14 =	vld.idx.msk [tilespmem:v14+s3+$0x0], $0xffff;
	v16 =	vand.u32 $0xC00, v21;
	v8 =	vor.u32 v8, v20  }
0x53: {  	v20 =	vshll.u32 v6, $0x3;
	v16 =	vadd.s32 v2, v16;
	v10 =	vld.idx.msk [tilespmem:v10+s11+$0x0], $0xffff;
	v13 =	vadd.f32 v19, v13  }
0x54: {  	v6 =	vand.u32 $0x7F, v6;
	v15 =	vld.idx.msk [tilespmem:v15+s3+$0x0], $0xffff;
	v7 =	vor.u32 v7, v16;
	v16 =	vand.u32 $0xC00, v20  }
0x55: {  	v19 =	vshll.u32 v5, $0x3;
	v9 =	vld.idx.msk [tilespmem:v9+s11+$0x0], $0xffff;
	v16 =	vadd.s32 v2, v16;
	v13 =	vadd.f32 v17, v13  }
0x56: {  	v5 =	vand.u32 $0x7F, v5;
	v17 =	vand.u32 $0xC00, v19;
	v19 =	vld.idx.msk [tilespmem:v18+s3+$0x0], $0xffff;
	v6 =	vor.u32 v6, v16  }
0x57: {  	v16 =	vadd.s32 v2, v17;
	v20 =	vld.idx.msk [tilespmem:v8+s11+$0x0], $0xffff;
	v8 =	vshll.u32 v4, $0x3;
	v13 =	vadd.f32 v14, v13  }
0x58: {  	v12 =	vld.idx.msk [tilespmem:v12+s3+$0x0], $0xffff;
	v4 =	vand.u32 $0x7F, v4;
	v14 =	vor.u32 v5, v16;
	v5 =	vand.u32 $0xC00, v8  }
0x59: {  	v8 =	vshll.u32 v3, $0x3;
	v22 =	vld.idx.msk [tilespmem:v7+s11+$0x0], $0xffff;
	v5 =	vadd.s32 v2, v5;
	v7 =	vadd.f32 v15, v13  }
0x5a: {  	s23 =	simm.s32 $0x2F;
	v3 =	vand.u32 $0x7F, v3;
	v8 =	vand.u32 $0xC00, v8;
	v13 =	vld.idx.msk [tilespmem:v11+s3+$0x0], $0xffff;
	v11 =	vor.u32 v4, v5  }
0x5b: {  	s19 =	simm.s32 $0x31;
	s24 =	simm.s32 $0x30;
	v4 =	vadd.s32 v2, v8;
	v5 =	vmov s23;
	v18 =	vld.idx.msk [tilespmem:v6+s11+$0x0], $0xffff;
	v8 =	vadd.f32 v19, v7  }
0x5c: {  	s26 =	simm.s32 $0x2E;
	s28 =	simm.s32 $0x2A;
	v16 =	vor.u32 v3, v4;
	v24 =	vld.idx.msk [tilespmem:v10+s3+$0x0], $0xffff;
	v4 =	vmov s24;
	v3 =	vmov s19  }
0x5d: {  	s25 =	simm.s32 $0x2D;
	s29 =	simm.s32 $0x2B;
	s24 =	simm.s32 $0x2C;
	v6 =	vmov s26;
	v10 =	vmov s28;
	v21 =	vld.idx.msk [tilespmem:v14+s11+$0x0], $0xffff;
	v14 =	vadd.f32 v12, v8  }
0x5e: {  	s30 =	simm.s32 $0x28;
	s31 =	simm.s32 $0x29;
	v7 =	vmov s25;
	v23 =	vld.idx.msk [tilespmem:v9+s3+$0x0], $0xffff;
	v9 =	vmov s29;
	v8 =	vmov s24  }
0x5f: {  	s28 =	simm.s32 $0x1E;
	s25 =	simm.s32 $0x26;
	s24 =	simm.s32 $0x25;
	v12 =	vmov s30;
	v17 =	vld.idx.msk [tilespmem:v11+s11+$0x0], $0xffff;
	v11 =	vmov s31;
	v26 =	vadd.f32 v13, v14  }
0x60: {  	s26 =	simm.s32 $0x27;
	s29 =	simm.s32 $0x1F;
	v25 =	vld.idx.msk [tilespmem:v20+s3+$0x0], $0xffff;
	v15 =	vmov s24;
	v20 =	vmov s28;
	v14 =	vmov s25  }
0x61: {  	s30 =	simm.s32 $0x1B;
	s31 =	simm.s32 $0x1C;
	v13 =	vmov s26;
	v19 =	vld.idx.msk [tilespmem:v16+s11+$0x0], $0xffff;
	s25 =	simm.s32 $0x1D;
	v16 =	vmov s29;
	v28 =	vadd.f32 v24, v26  }
0x62: {  	s21 =	simm.s32 $0x1A;
	s20 =	simm.s32 $0x4A;
	s22 =	simm.s32 $0x19;
	v27 =	vmov s25;
	v26 =	vld.idx.msk [tilespmem:v22+s3+$0x0], $0xffff;
	v24 =	vmov s30;
	v22 =	vmov s31  }
.LBB2_3:
0x63: {  	p1 =	sne.s32 s20, $0xC7;
	v29 =	vmov s22;
	v30 =	vmov s21;
	v23 =	vadd.f32 v23, v28;
	v18 =	vld.idx.msk [tilespmem:v18+s3+$0x0], $0xffff  }
0x64: {  	v31 =	vand.u32 $0x7F, v27;
	v32 =	vshll.u32 v20, $0x3;
	v28 =	vshll.u32 v29, $0x3  }
0x65: {  	v29 =	vand.u32 $0x7F, v29;
	v28 =	vand.u32 $0x400, v28;
	v23 =	vadd.f32 v25, v23;
	v21 =	vld.idx.msk [tilespmem:v21+s3+$0x0], $0xffff  }
0x66: {  	v27 =	vshll.u32 v27, $0x3;
	v25 =	vor.u32 v28, v29;
	v28 =	vshll.u32 v30, $0x3  }
0x67: {  	v25 =	vor.u32 v2, v25;
	v28 =	vand.u32 $0xC00, v28;
	v23 =	vadd.f32 v26, v23;
	v17 =	vld.idx.msk [tilespmem:v17+s3+$0x0], $0xffff  }
0x68: {  	v29 =	vshll.u32 v24, $0x3;
	v26 =	vand.u32 $0x7F, v30;
	v28 =	vadd.s32 v2, v28  }
0x69: {  	v26 =	vor.u32 v26, v28;
	v28 =	vand.u32 $0xC00, v29;
	v18 =	vadd.f32 v18, v23;
	v19 =	vld.idx.msk [tilespmem:v19+s3+$0x0], $0xffff  }
0x6a: {  	v23 =	vand.u32 $0x7F, v24;
	v24 =	vadd.s32 v2, v28;
	v28 =	vshll.u32 v22, $0x3  }
0x6b: {  	v23 =	vor.u32 v23, v24;
	v24 =	vand.u32 $0xC00, v28;
	v18 =	vadd.f32 v21, v18  }
0x6c: {  	v22 =	vand.u32 $0x7F, v22;
	v21 =	vld.idx.msk [tilespmem:v25+s11+$0x0], $0xffff;
	v24 =	vadd.s32 v2, v24;
	v25 =	vand.u32 $0xC00, v27  }
0x6d: {  	v22 =	vor.u32 v22, v24;
	v24 =	vadd.s32 v2, v25;
	v17 =	vadd.f32 v17, v18  }
0x6e: {  	v20 =	vand.u32 $0x7F, v20;
	v25 =	vand.u32 $0xC00, v32;
	v18 =	vld.idx.msk [tilespmem:v26+s11+$0x0], $0xffff;
	v24 =	vor.u32 v31, v24  }
0x6f: {  	s21 =	sadd.s32 $0xFFFFFFEF, s19;
	v25 =	vadd.s32 v2, v25;
	v26 =	vshll.u32 v16, $0x3;
	v17 =	vadd.f32 v19, v17  }
0x70: {  	v20 =	vor.u32 v20, v25;
	v25 =	vmov s21;
	v19 =	vld.idx.msk [tilespmem:v23+s11+$0x0], $0xffff;
	v23 =	vand.u32 $0xC00, v26  }
0x71: {  	v16 =	vand.u32 $0x7F, v16;
	s21 =	sadd.s32 $0xFFFFFFF0, s19;
	v26 =	vshll.u32 v25, $0x3;
	v23 =	vadd.s32 v2, v23  }
0x72: {  	v22 =	vld.idx.msk [tilespmem:v22+s11+$0x0], $0xffff;
	v16 =	vor.u32 v16, v23;
	v23 =	vand.u32 $0xC00, v26;
	v26 =	vmov s21  }
0x73: {  	v25 =	vand.u32 $0x7F, v25;
	s21 =	sadd.s32 $0xFFFFFFF1, s19;
	v24 =	vld.idx.msk [tilespmem:v24+s11+$0x0], $0xffff;
	v23 =	vadd.s32 v2, v23;
	v27 =	vshll.u32 v26, $0x3  }
0x74: {  	v21 =	vld.idx.msk [tilespmem:v21+s3+$0x0], $0xffff;
	v23 =	vor.u32 v25, v23;
	v25 =	vand.u32 $0xC00, v27;
	v27 =	vmov s21  }
0x75: {  	v26 =	vand.u32 $0x7F, v26;
	s21 =	sadd.s32 $0xFFFFFFF2, s19;
	v20 =	vld.idx.msk [tilespmem:v20+s11+$0x0], $0xffff;
	v25 =	vadd.s32 v2, v25;
	v28 =	vshll.u32 v27, $0x3  }
0x76: {  	v18 =	vld.idx.msk [tilespmem:v18+s3+$0x0], $0xffff;
	v25 =	vor.u32 v26, v25;
	v26 =	vand.u32 $0xC00, v28;
	v28 =	vmov s21  }
0x77: {  	v27 =	vand.u32 $0x7F, v27;
	s21 =	sadd.s32 $0xFFFFFFF3, s19;
	s19 =	smov.u32 s20;
	v16 =	vld.idx.msk [tilespmem:v16+s11+$0x0], $0xffff;
	v26 =	vadd.s32 v2, v26;
	v29 =	vshll.u32 v28, $0x3  }
0x78: {  	v19 =	vld.idx.msk [tilespmem:v19+s3+$0x0], $0xffff;
	v26 =	vor.u32 v27, v26;
	v27 =	vand.u32 $0xC00, v29;
	v29 =	vmov s21  }
0x79: {  	v28 =	vand.u32 $0x7F, v28;
	v23 =	vld.idx.msk [tilespmem:v23+s11+$0x0], $0xffff;
	v27 =	vadd.s32 v2, v27;
	v30 =	vshll.u32 v29, $0x3  }
0x7a: {  	v17 =	vadd.f32 v21, v17;
	v21 =	vld.idx.msk [tilespmem:v22+s3+$0x0], $0xffff;
	v22 =	vor.u32 v28, v27;
	v27 =	vand.u32 $0xC00, v30  }
0x7b: {  	v28 =	vand.u32 $0x7F, v29;
	v29 =	vshll.u32 v15, $0x3;
	v25 =	vld.idx.msk [tilespmem:v25+s11+$0x0], $0xffff;
	v27 =	vadd.s32 v2, v27  }
0x7c: {  	v17 =	vadd.f32 v18, v17;
	v18 =	vld.idx.msk [tilespmem:v24+s3+$0x0], $0xffff;
	v24 =	vor.u32 v28, v27;
	v27 =	vand.u32 $0xC00, v29  }
0x7d: {  	v15 =	vand.u32 $0x7F, v15;
	v28 =	vshll.u32 v14, $0x3;
	v26 =	vld.idx.msk [tilespmem:v26+s11+$0x0], $0xffff;
	v27 =	vadd.s32 v2, v27  }
0x7e: {  	v17 =	vadd.f32 v19, v17;
	v19 =	vld.idx.msk [tilespmem:v20+s3+$0x0], $0xffff;
	v15 =	vor.u32 v15, v27;
	v20 =	vand.u32 $0xC00, v28  }
0x7f: {  	v14 =	vand.u32 $0x7F, v14;
	v27 =	vshll.u32 v13, $0x3;
	v22 =	vld.idx.msk [tilespmem:v22+s11+$0x0], $0xffff;
	v20 =	vadd.s32 v2, v20  }
0x80: {  	v17 =	vadd.f32 v21, v17;
	v16 =	vld.idx.msk [tilespmem:v16+s3+$0x0], $0xffff;
	v14 =	vor.u32 v14, v20;
	v20 =	vand.u32 $0xC00, v27  }
0x81: {  	v13 =	vand.u32 $0x7F, v13;
	v21 =	vld.idx.msk [tilespmem:v24+s11+$0x0], $0xffff;
	v20 =	vadd.s32 v2, v20;
	v24 =	vshll.u32 v12, $0x3  }
0x82: {  	v17 =	vadd.f32 v18, v17;
	v18 =	vld.idx.msk [tilespmem:v23+s3+$0x0], $0xffff;
	v13 =	vor.u32 v13, v20;
	v20 =	vand.u32 $0xC00, v24  }
0x83: {  	v12 =	vand.u32 $0x7F, v12;
	v23 =	vshll.u32 v11, $0x3;
	v15 =	vld.idx.msk [tilespmem:v15+s11+$0x0], $0xffff;
	v20 =	vadd.s32 v2, v20  }
0x84: {  	v17 =	vadd.f32 v19, v17;
	v19 =	vld.idx.msk [tilespmem:v25+s3+$0x0], $0xffff;
	v12 =	vor.u32 v12, v20;
	v20 =	vand.u32 $0xC00, v23  }
0x85: {  	v11 =	vand.u32 $0x7F, v11;
	v23 =	vshll.u32 v10, $0x3;
	v14 =	vld.idx.msk [tilespmem:v14+s11+$0x0], $0xffff;
	v20 =	vadd.s32 v2, v20  }
0x86: {  	v16 =	vadd.f32 v16, v17;
	v17 =	vld.idx.msk [tilespmem:v26+s3+$0x0], $0xffff;
	v11 =	vor.u32 v11, v20;
	v20 =	vand.u32 $0xC00, v23  }
0x87: {  	v10 =	vand.u32 $0x7F, v10;
	v23 =	vshll.u32 v9, $0x3;
	v13 =	vld.idx.msk [tilespmem:v13+s11+$0x0], $0xffff;
	v20 =	vadd.s32 v2, v20  }
0x88: {  	v16 =	vadd.f32 v18, v16;
	v18 =	vld.idx.msk [tilespmem:v22+s3+$0x0], $0xffff;
	v10 =	vor.u32 v10, v20;
	v20 =	vand.u32 $0xC00, v23  }
0x89: {  	v9 =	vand.u32 $0x7F, v9;
	v22 =	vshll.u32 v8, $0x3;
	v12 =	vld.idx.msk [tilespmem:v12+s11+$0x0], $0xffff;
	v20 =	vadd.s32 v2, v20  }
0x8a: {  	v16 =	vadd.f32 v19, v16;
	v19 =	vld.idx.msk [tilespmem:v21+s3+$0x0], $0xffff;
	v9 =	vor.u32 v9, v20;
	v20 =	vand.u32 $0xC00, v22  }
0x8b: {  	v8 =	vand.u32 $0x7F, v8;
	v21 =	vshll.u32 v7, $0x3;
	v11 =	vld.idx.msk [tilespmem:v11+s11+$0x0], $0xffff;
	v20 =	vadd.s32 v2, v20  }
0x8c: {  	v16 =	vadd.f32 v17, v16;
	v17 =	vand.u32 $0xC00, v21;
	v15 =	vld.idx.msk [tilespmem:v15+s3+$0x0], $0xffff;
	v8 =	vor.u32 v8, v20  }
0x8d: {  	v7 =	vand.u32 $0x7F, v7;
	v17 =	vadd.s32 v2, v17;
	v20 =	vshll.u32 v6, $0x3;
	v10 =	vld.idx.msk [tilespmem:v10+s11+$0x0], $0xffff  }
0x8e: {  	v16 =	vadd.f32 v18, v16;
	v7 =	vor.u32 v7, v17;
	v17 =	vand.u32 $0xC00, v20;
	v14 =	vld.idx.msk [tilespmem:v14+s3+$0x0], $0xffff  }
0x8f: {  	v6 =	vand.u32 $0x7F, v6;
	v18 =	vshll.u32 v5, $0x3;
	v17 =	vadd.s32 v2, v17;
	v9 =	vld.idx.msk [tilespmem:v9+s11+$0x0], $0xffff  }
0x90: {  	v16 =	vadd.f32 v19, v16;
	v6 =	vor.u32 v6, v17;
	v17 =	vand.u32 $0xC00, v18;
	v13 =	vld.idx.msk [tilespmem:v13+s3+$0x0], $0xffff  }
0x91: {  	v5 =	vand.u32 $0x7F, v5;
	v19 =	vld.idx.msk [tilespmem:v8+s11+$0x0], $0xffff;
	v8 =	vadd.s32 v2, v17;
	v17 =	vshll.u32 v4, $0x3  }
0x92: {  	v15 =	vadd.f32 v15, v16;
	v12 =	vld.idx.msk [tilespmem:v12+s3+$0x0], $0xffff;
	v8 =	vor.u32 v5, v8;
	v5 =	vand.u32 $0xC00, v17  }
0x93: {  	v4 =	vand.u32 $0x7F, v4;
	v22 =	vld.idx.msk [tilespmem:v7+s11+$0x0], $0xffff;
	v5 =	vadd.s32 v2, v5;
	v7 =	vshll.u32 v3, $0x3  }
0x94: {  	v14 =	vadd.f32 v14, v15;
	v15 =	vld.idx.msk [tilespmem:v11+s3+$0x0], $0xffff;
	v11 =	vor.u32 v4, v5;
	v4 =	vand.u32 $0xC00, v7  }
0x95: {  	v3 =	vand.u32 $0x7F, v3;
	v18 =	vld.idx.msk [tilespmem:v6+s11+$0x0], $0xffff;
	v4 =	vadd.s32 v2, v4  }
0x96: {  	s22 =	sadd.s32 $0xFFFFFFFF, s20;
	s21 =	sadd.s32 $0xFFFFFFFE, s20;
	v13 =	vadd.f32 v13, v14;
	v24 =	vld.idx.msk [tilespmem:v10+s3+$0x0], $0xffff;
	v16 =	vor.u32 v3, v4  }
0x97: {  	s23 =	sadd.s32 $0xFFFFFFFC, s20;
	s24 =	sadd.s32 $0xFFFFFFFD, s20;
	v5 =	vmov s21;
	v4 =	vmov s22;
	v3 =	vmov s20;
	v21 =	vld.idx.msk [tilespmem:v8+s11+$0x0], $0xffff  }
0x98: {  	s25 =	sadd.s32 $0xFFFFFFFB, s20;
	s21 =	sadd.s32 $0xFFFFFFF9, s20;
	v7 =	vmov s23;
	v6 =	vmov s24;
	s22 =	sadd.s32 $0xFFFFFFFA, s20;
	v13 =	vadd.f32 v12, v13;
	v23 =	vld.idx.msk [tilespmem:v9+s3+$0x0], $0xffff  }
.Ltmp0:
0x99: {  	s23 =	sadd.s32 $0xFFFFFFF7, s20;
	s24 =	sadd.s32 $0xFFFFFFF8, s20;
	v10 =	vmov s21;
	v8 =	vmov s25;
	v9 =	vmov s22;
	v17 =	vld.idx.msk [tilespmem:v11+s11+$0x0], $0xffff;
	(pc) =	sbr.rel @p1 .LBB2_3-.Ltmp0, $4  }
0x9a: {  	s21 =	sadd.s32 $0xFFFFFFF4, s20;
	s25 =	sadd.s32 $0xFFFFFFF6, s20;
	v12 =	vmov s23;
	s22 =	sadd.s32 $0xFFFFFFF5, s20;
	v11 =	vmov s24;
	v26 =	vadd.f32 v15, v13;
	v25 =	vld.idx.msk [tilespmem:v19+s3+$0x0], $0xffff  }
0x9b: {  	s23 =	sadd.s32 $0xFFFFFFED, s20;
	s24 =	sadd.s32 $0xFFFFFFEE, s20;
	v15 =	vmov s21;
	v14 =	vmov s22;
	v13 =	vmov s25;
	v19 =	vld.idx.msk [tilespmem:v16+s11+$0x0], $0xffff  }
0x9c: {  	s26 =	sadd.s32 $0xFFFFFFEB, s20;
	s28 =	sadd.s32 $0xFFFFFFEC, s20;
	v20 =	vmov s23;
	s25 =	sadd.s32 $0xFFFFFFEA, s20;
	v16 =	vmov s24;
	v28 =	vadd.f32 v24, v26;
	v26 =	vld.idx.msk [tilespmem:v22+s3+$0x0], $0xffff  }
0x9d: {  	v27 =	vmov s28;
	s22 =	sadd.s32 $0xFFFFFFE8, s19;
	s21 =	sadd.s32 $0xFFFFFFE9, s19;
	s20 =	sadd.s32 $0x19, s20;
	v24 =	vmov s25;
	v22 =	vmov s26  }
0x9e: {  	v29 =	vmov s22  }
0x9f: {  	v23 =	vadd.f32 v23, v28;
	v50 =	vmov s21;
	v51 =	vand.u32 $0x7F, v27  }
0xa0: {  	v55 =	vshll.u32 v24, $0x3;
	v31 =	vshll.u32 v20, $0x3;
	v30 =	vshll.u32 v29, $0x3  }
0xa1: {  	v57 =	vand.u32 $0x7F, v24;
	v29 =	vand.u32 $0x7F, v29;
	v30 =	vand.u32 $0x400, v30  }
0xa2: {  	v18 =	vld.idx.msk [tilespmem:v18+s3+$0x0], $0xffff;
	v59 =	vshll.u32 v27, $0x3;
	v52 =	vshll.u32 v50, $0x3;
	v29 =	vor.u32 v30, v29  }
0xa3: {  	v23 =	vadd.f32 v25, v23;
	v30 =	vand.u32 $0xC00, v52;
	v29 =	vor.u32 v2, v29  }
0xa4: {  	v21 =	vld.idx.msk [tilespmem:v21+s3+$0x0], $0xffff;
	v60 =	vshll.u32 v22, $0x3;
	v53 =	vand.u32 $0x7F, v50;
	v54 =	vadd.s32 v2, v30  }
0xa5: {  	v56 =	vand.u32 $0xC00, v55;
	v23 =	vadd.f32 v26, v23;
	v26 =	vor.u32 v53, v54  }
0xa6: {  	v32 =	vand.u32 $0x7F, v22;
	v35 =	vand.u32 $0x7F, v20;
	v58 =	vadd.s32 v2, v56  }
0xa7: {  	v61 =	vand.u32 $0xC00, v60;
	v18 =	vadd.f32 v18, v23;
	v23 =	vor.u32 v57, v58  }
0xa8: {  	v36 =	vshll.u32 v16, $0x3;
	v62 =	vand.u32 $0xC00, v59;
	v24 =	vadd.s32 v2, v61;
	v63 =	vld.idx.msk [tilespmem:v29+s11+$0x0], $0xffff  }
0xa9: {  	v22 =	vor.u32 v32, v24;
	v18 =	vadd.f32 v21, v18;
	v21 =	vadd.s32 v2, v62  }
0xaa: {  	s20 =	sadd.s32 $0xFFFFFFEF, s19;
	v39 =	vand.u32 $0x7F, v16;
	v33 =	vand.u32 $0xC00, v31;
	v21 =	vor.u32 v51, v21;
	v34 =	vld.idx.msk [tilespmem:v26+s11+$0x0], $0xffff  }
0xab: {  	v17 =	vld.idx.msk [tilespmem:v17+s3+$0x0], $0xffff;
	s28 =	sadd.s32 $0xFFFFFFF0, s19;
	s29 =	sadd.s32 $0xFFFFFFF1, s19;
	v37 =	vand.u32 $0xC00, v36;
	v38 =	vmov s20;
	v24 =	vadd.s32 v2, v33  }
0xac: {  	s30 =	sadd.s32 $0xFFFFFFF2, s19;
	v42 =	vmov s28;
	v45 =	vmov s29;
	v20 =	vor.u32 v35, v24;
	v23 =	vld.idx.msk [tilespmem:v23+s11+$0x0], $0xffff  }
0xad: {  	v50 =	vmov s30;
	v40 =	vshll.u32 v38, $0x3;
	v19 =	vld.idx.msk [tilespmem:v19+s3+$0x0], $0xffff;
	v24 =	vadd.s32 v2, v37  }
0xae: {  	v59 =	vand.u32 $0x7F, v15;
	v41 =	vand.u32 $0xC00, v40;
	v16 =	vor.u32 v39, v24;
	v22 =	vld.idx.msk [tilespmem:v22+s11+$0x0], $0xffff  }
0xaf: {  	v43 =	vshll.u32 v42, $0x3;
	v24 =	vadd.s32 v2, v41;
	v26 =	vand.u32 $0x7F, v38;
	v21 =	vld.idx.msk [tilespmem:v21+s11+$0x0], $0xffff  }
0xb0: {  	v28 =	vand.u32 $0x7F, v42;
	v44 =	vand.u32 $0xC00, v43;
	v24 =	vor.u32 v26, v24;
	v27 =	vld.idx.msk [tilespmem:v63+s3+$0x0], $0xffff  }
0xb1: {  	v46 =	vshll.u32 v45, $0x3;
	v47 =	vld.idx.msk [tilespmem:v20+s11+$0x0], $0xffff;
	v17 =	vadd.f32 v17, v18;
	v26 =	vadd.s32 v2, v44  }
0xb2: {  	v49 =	vand.u32 $0xC00, v46;
	v29 =	vand.u32 $0x7F, v45;
	v48 =	vor.u32 v28, v26;
	v25 =	vld.idx.msk [tilespmem:v34+s3+$0x0], $0xffff  }
0xb3: {  	s31 =	sadd.s32 $0xFFFFFFF3, s19;
	v51 =	vshll.u32 v50, $0x3;
	v16 =	vld.idx.msk [tilespmem:v16+s11+$0x0], $0xffff;
	v26 =	vadd.s32 v2, v49;
	v17 =	vadd.f32 v19, v17  }
0xb4: {  	v52 =	vmov s31;
	v19 =	vand.u32 $0xC00, v51;
	v26 =	vor.u32 v29, v26;
	v23 =	vld.idx.msk [tilespmem:v23+s3+$0x0], $0xffff  }
0xb5: {  	v28 =	vand.u32 $0x7F, v50;
	v19 =	vadd.s32 v2, v19;
	v24 =	vld.idx.msk [tilespmem:v24+s11+$0x0], $0xffff;
	v17 =	vadd.f32 v27, v17  }
0xb6: {  	v60 =	vshll.u32 v14, $0x3;
	v53 =	vshll.u32 v52, $0x3;
	v19 =	vor.u32 v28, v19;
	v22 =	vld.idx.msk [tilespmem:v22+s3+$0x0], $0xffff  }
0xb7: {  	v56 =	vshll.u32 v15, $0x3;
	v54 =	vand.u32 $0xC00, v53;
	v20 =	vld.idx.msk [tilespmem:v48+s11+$0x0], $0xffff;
	v17 =	vadd.f32 v25, v17  }
0xb8: {  	v61 =	vand.u32 $0xC00, v60;
	v55 =	vand.u32 $0x7F, v52;
	v27 =	vadd.s32 v2, v54;
	v21 =	vld.idx.msk [tilespmem:v21+s3+$0x0], $0xffff  }
0xb9: {  	v58 =	vand.u32 $0xC00, v56;
	v26 =	vld.idx.msk [tilespmem:v26+s11+$0x0], $0xffff;
	v57 =	vor.u32 v55, v27;
	v17 =	vadd.f32 v23, v17  }
0xba: {  	v33 =	vand.u32 $0x7F, v12;
	v30 =	vshll.u32 v12, $0x3;
	v18 =	vld.idx.msk [tilespmem:v47+s3+$0x0], $0xffff;
	v27 =	vadd.s32 v2, v58  }
0xbb: {  	v32 =	vand.u32 $0xC00, v30;
	v19 =	vld.idx.msk [tilespmem:v19+s11+$0x0], $0xffff;
	v15 =	vor.u32 v59, v27;
	v17 =	vadd.f32 v22, v17  }
0xbc: {  	v62 =	vand.u32 $0x7F, v14;
	v63 =	vshll.u32 v13, $0x3;
	v16 =	vld.idx.msk [tilespmem:v16+s3+$0x0], $0xffff;
	v23 =	vadd.s32 v2, v61  }
0xbd: {  	v27 =	vand.u32 $0xC00, v63;
	v31 =	vld.idx.msk [tilespmem:v24+s3+$0x0], $0xffff;
	v14 =	vor.u32 v62, v23;
	v17 =	vadd.f32 v21, v17  }
0xbe: {  	v28 =	vand.u32 $0x7F, v13;
	v34 =	vshll.u32 v11, $0x3;
	v29 =	vld.idx.msk [tilespmem:v57+s11+$0x0], $0xffff;
	v22 =	vadd.s32 v2, v27  }
0xbf: {  	v35 =	vld.idx.msk [tilespmem:v20+s3+$0x0], $0xffff;
	v13 =	vor.u32 v28, v22;
	v22 =	vadd.s32 v2, v32;
	v17 =	vadd.f32 v18, v17  }
0xc0: {  	v37 =	vand.u32 $0x7F, v11;
	v36 =	vand.u32 $0xC00, v34;
	v15 =	vld.idx.msk [tilespmem:v15+s11+$0x0], $0xffff;
	v12 =	vor.u32 v33, v22  }
0xc1: {  	v38 =	vshll.u32 v10, $0x3;
	v20 =	vadd.s32 v2, v36;
	v39 =	vld.idx.msk [tilespmem:v26+s3+$0x0], $0xffff;
	v16 =	vadd.f32 v16, v17  }
0xc2: {  	v42 =	vshll.u32 v9, $0x3;
	v40 =	vand.u32 $0xC00, v38;
	v11 =	vor.u32 v37, v20;
	v14 =	vld.idx.msk [tilespmem:v14+s11+$0x0], $0xffff  }
0xc3: {  	v41 =	vand.u32 $0x7F, v10;
	v20 =	vadd.s32 v2, v40;
	v19 =	vld.idx.msk [tilespmem:v19+s3+$0x0], $0xffff;
	v16 =	vadd.f32 v31, v16  }
0xc4: {  	v43 =	vand.u32 $0xC00, v42;
	v45 =	vshll.u32 v8, $0x3;
	v10 =	vor.u32 v41, v20;
	v13 =	vld.idx.msk [tilespmem:v13+s11+$0x0], $0xffff  }
0xc5: {  	v44 =	vand.u32 $0x7F, v9;
	v20 =	vadd.s32 v2, v43;
	v12 =	vld.idx.msk [tilespmem:v12+s11+$0x0], $0xffff;
	v16 =	vadd.f32 v35, v16  }
0xc6: {  	v49 =	vshll.u32 v7, $0x3;
	v47 =	vand.u32 $0xC00, v45;
	v9 =	vor.u32 v44, v20;
	v46 =	vld.idx.msk [tilespmem:v29+s3+$0x0], $0xffff  }
0xc7: {  	v48 =	vand.u32 $0x7F, v8;
	v20 =	vadd.s32 v2, v47;
	v11 =	vld.idx.msk [tilespmem:v11+s11+$0x0], $0xffff;
	v16 =	vadd.f32 v39, v16  }
0xc8: {  	v50 =	vand.u32 $0xC00, v49;
	v8 =	vor.u32 v48, v20;
	v15 =	vld.idx.msk [tilespmem:v15+s3+$0x0], $0xffff  }
0xc9: {  	v51 =	vand.u32 $0x7F, v7;
	v10 =	vld.idx.msk [tilespmem:v10+s11+$0x0], $0xffff;
	v17 =	vadd.s32 v2, v50;
	v16 =	vadd.f32 v19, v16  }
0xca: {  	v52 =	vshll.u32 v6, $0x3;
	v7 =	vor.u32 v51, v17;
	v14 =	vld.idx.msk [tilespmem:v14+s3+$0x0], $0xffff  }
0xcb: {  	v53 =	vand.u32 $0xC00, v52;
	v9 =	vld.idx.msk [tilespmem:v9+s11+$0x0], $0xffff;
	v16 =	vadd.f32 v46, v16  }
0xcc: {  	v54 =	vand.u32 $0x7F, v6;
	v55 =	vshll.u32 v5, $0x3;
	v17 =	vadd.s32 v2, v53;
	v13 =	vld.idx.msk [tilespmem:v13+s3+$0x0], $0xffff  }
0xcd: {  	v56 =	vand.u32 $0xC00, v55;
	v8 =	vld.idx.msk [tilespmem:v8+s11+$0x0], $0xffff;
	v6 =	vor.u32 v54, v17;
	v15 =	vadd.f32 v15, v16  }
0xce: {  	v58 =	vshll.u32 v4, $0x3;
	v57 =	vand.u32 $0x7F, v5;
	v17 =	vadd.s32 v2, v56;
	v12 =	vld.idx.msk [tilespmem:v12+s3+$0x0], $0xffff  }
0xcf: {  	v59 =	vand.u32 $0xC00, v58;
	v5 =	vor.u32 v57, v17;
	v7 =	vld.idx.msk [tilespmem:v7+s11+$0x0], $0xffff;
	v14 =	vadd.f32 v14, v15  }
0xd0: {  	v60 =	vand.u32 $0x7F, v4;
	v61 =	vshll.u32 v3, $0x3;
	v11 =	vld.idx.msk [tilespmem:v11+s3+$0x0], $0xffff;
	v16 =	vadd.s32 v2, v59  }
0xd1: {  	v62 =	vand.u32 $0xC00, v61;
	v10 =	vld.idx.msk [tilespmem:v10+s3+$0x0], $0xffff;
	v4 =	vor.u32 v60, v16;
	v13 =	vadd.f32 v13, v14  }
0xd2: {  	v3 =	vand.u32 $0x7F, v3;
	v6 =	vld.idx.msk [tilespmem:v6+s11+$0x0], $0xffff;
	v2 =	vadd.s32 v2, v62  }
0xd3: {  	v9 =	vld.idx.msk [tilespmem:v9+s3+$0x0], $0xffff;
	v2 =	vor.u32 v3, v2;
	v63 =	vadd.f32 v12, v13  }
0xd4: {  	v3 =	vld.idx.msk [tilespmem:v5+s11+$0x0], $0xffff  }
0xd5: {  	v8 =	vld.idx.msk [tilespmem:v8+s3+$0x0], $0xffff;
	v5 =	vadd.f32 v11, v63  }
0xd6: {  	v4 =	vld.idx.msk [tilespmem:v4+s11+$0x0], $0xffff  }
0xd7: {  	v7 =	vld.idx.msk [tilespmem:v7+s3+$0x0], $0xffff;
	v5 =	vadd.f32 v10, v5  }
0xd8: {  	v2 =	vld.idx.msk [tilespmem:v2+s11+$0x0], $0xffff  }
0xd9: {  	v5 =	vadd.f32 v9, v5  }
0xda: {  	v6 =	vld.idx.msk [tilespmem:v6+s3+$0x0], $0xffff  }
0xdb: {  	v5 =	vadd.f32 v8, v5  }
0xdc: {  	v3 =	vld.idx.msk [tilespmem:v3+s3+$0x0], $0xffff  }
0xdd: {  	v5 =	vadd.f32 v7, v5  }
0xde: {  	v4 =	vld.idx.msk [tilespmem:v4+s3+$0x0], $0xffff  }
0xdf: {  	v5 =	vadd.f32 v6, v5  }
0xe0: {  	v2 =	vld.idx.msk [tilespmem:v2+s3+$0x0], $0xffff  }
0xe1: {  	v3 =	vadd.f32 v3, v5;
	_ =	sdelay $0x1  }
0xe2: {  	v3 =	vadd.f32 v4, v3;
	_ =	sdelay $0x1  }
0xe3: {  	v2 =	vadd.f32 v2, v3;
	_ =	sdelay $0x1  }
0xe4: {  	v2 =	vsub.f32 $0.0e+00, v2;
	_ =	sdelay $0x1  }
0xe5: {  	v2 =	vmul.f32 $1.442695020e+00, v2;
	_ =	sdelay $0x1  }
0xe6: {  	(erf) = vpow2.f32 v2;
	_ =	sdelay $0x8  }
0xe7: {  	v2 =	vpop (erf)  }
0xe8: {  	v2 =	vadd.f32 $1.000000000e+00, v2;
	_ =	sdelay $0x1  }
0xe9: {  	(erf) = vrcp.f32 v2;
	_ =	sdelay $0x3  }
0xea: {  	s17 =	sadd.s32 $0x1, s17  }
0xeb: {  	p1 =	sne.s32 s17, $0x4  }
.Ltmp1:
0xec: {  	_ = 	snop;
	(pc) =	sbr.rel @p1 .LBB2_2-.Ltmp1, $3  }
0xed: {  	_ =	sdelay $0x1  }
0xee: {  	v2 =	vpop (erf)  }
0xef: {  	[tilespmem:s18+$0x1DF70] =	vst v2  }
0xf0: {  	s17 =	simm.s32 $0x0  }
0xf1: {  	[tilespmem:s11], [sflag:$0x3] =	stream.linear.gather [hbm4b:s8+s17], $0x4000, $0x38;
	[tilespmem:$0x1DFF0] =	vst v63  }
0xf2: {  	_ =	swait.ge [sflag:s14], $0x4000  }
0xf3: {  	[sflag:s14] =	ssyncset.done $0x0  }
0xf4: {  	[sflag:s14] =	ssyncadd.s32 $0xFFFFC000  }
.LBB2_6:
0xf5: {  	s18 =	sshll.u32 s17, $0x4;
	s19 =	simm.s32 $0x16  }
0xf6: {  	v13 =	vimm.f32 $0.0e+00;
	s20 =	simm.s32 $0x18;
	s21 =	simm.s32 $0x17;
	s22 =	simm.s32 $0x14;
	v2 =	vmov s18;
	v5 =	vmov s19  }
0xf7: {  	s31 =	simm.s32 $0x15;
	s24 =	simm.s32 $0x12;
	s25 =	simm.s32 $0x13;
	v4 =	vmov s21;
	v3 =	vmov s20;
	v7 =	vmov s22  }
0xf8: {  	s26 =	simm.s32 $0xF;
	s23 =	simm.s32 $0x10;
	s28 =	simm.s32 $0xC;
	v6 =	vmov s31;
	v9 =	vmov s24;
	v8 =	vmov s25  }
0xf9: {  	s29 =	simm.s32 $0xD;
	s30 =	simm.s32 $0x5;
	v12 =	vmov s26;
	v11 =	vmov s23;
	v14 =	vmov s28  }
0xfa: {  	s21 =	simm.s32 $0x11;
	s31 =	simm.s32 $0x6;
	v15 =	vmov s29;
	s23 =	simm.s32 $0x2;
	v16 =	vmov s30;
	v2 =	vshll.u32 v2, $0x8  }
0xfb: {  	s24 =	simm.s32 $0x0;
	s25 =	simm.s32 $0x3;
	s26 =	simm.s32 $0x4;
	v10 =	vmov s21;
	v17 =	vmov s31;
	v18 =	vmov s23  }
0xfc: {  	s28 =	simm.s32 $0x1;
	v19 =	vmov s24;
	v20 =	vmov s25;
	v21 =	vmov s26  }
0xfd: {  	v23 =	vmov s28;
	v2 =	vor.u32 v0, v2;
	v22 =	vshll.u32 v19, $0x3  }
0xfe: {  	v19 =	vand.u32 $0x7F, v19;
	v2 =	vand.u32 $0x3800, v2;
	v22 =	vand.u32 $0x400, v22  }
0xff: {  	v2 =	vor.u32 v1, v2;
	v19 =	vor.u32 v22, v19;
	v22 =	vshll.u32 v23, $0x3  }
0x100: {  	v25 =	vshll.u32 v16, $0x3;
	v19 =	vor.u32 v2, v19;
	v22 =	vand.u32 $0xC00, v22  }
0x101: {  	v26 =	vshll.u32 v18, $0x3;
	v23 =	vand.u32 $0x7F, v23;
	v22 =	vadd.s32 v2, v22  }
0x102: {  	v24 =	vand.u32 $0x7F, v21;
	v22 =	vor.u32 v23, v22;
	v23 =	vand.u32 $0xC00, v26  }
0x103: {  	v18 =	vand.u32 $0x7F, v18;
	v26 =	vshll.u32 v20, $0x3;
	v23 =	vadd.s32 v2, v23  }
0x104: {  	v21 =	vshll.u32 v21, $0x3;
	v18 =	vor.u32 v18, v23;
	v23 =	vand.u32 $0xC00, v26  }
0x105: {  	v21 =	vand.u32 $0xC00, v21;
	v20 =	vand.u32 $0x7F, v20;
	v19 =	vld.idx.msk [tilespmem:v19+s11+$0x0], $0xffff;
	v23 =	vadd.s32 v2, v23  }
0x106: {  	v16 =	vand.u32 $0x7F, v16;
	s21 =	simm.s32 $0xE;
	v21 =	vadd.s32 v2, v21;
	v20 =	vor.u32 v20, v23  }
0x107: {  	v29 =	vmov s21;
	v21 =	vor.u32 v24, v21;
	v23 =	vand.u32 $0xC00, v25;
	v22 =	vld.idx.msk [tilespmem:v22+s11+$0x0], $0xffff  }
0x108: {  	s29 =	simm.s32 $0x7;
	v24 =	vshll.u32 v17, $0x3;
	v17 =	vand.u32 $0x7F, v17;
	v23 =	vadd.s32 v2, v23  }
0x109: {  	v16 =	vor.u32 v16, v23;
	v23 =	vand.u32 $0xC00, v24;
	v24 =	vmov s29;
	v18 =	vld.idx.msk [tilespmem:v18+s11+$0x0], $0xffff  }
0x10a: {  	s30 =	simm.s32 $0x8;
	v23 =	vadd.s32 v2, v23;
	v25 =	vshll.u32 v24, $0x3;
	v24 =	vand.u32 $0x7F, v24  }
0x10b: {  	v17 =	vor.u32 v17, v23;
	v23 =	vand.u32 $0xC00, v25;
	v25 =	vmov s30;
	v20 =	vld.idx.msk [tilespmem:v20+s11+$0x0], $0xffff  }
0x10c: {  	s31 =	simm.s32 $0x9;
	v21 =	vld.idx.msk [tilespmem:v21+s11+$0x0], $0xffff;
	v23 =	vadd.s32 v2, v23;
	v26 =	vshll.u32 v25, $0x3;
	v25 =	vand.u32 $0x7F, v25  }
0x10d: {  	v23 =	vor.u32 v24, v23;
	v24 =	vand.u32 $0xC00, v26;
	v26 =	vmov s31;
	v19 =	vld.idx.msk [tilespmem:v19+s3+$0x0], $0xffff  }
0x10e: {  	s20 =	simm.s32 $0xA;
	v24 =	vadd.s32 v2, v24;
	v27 =	vshll.u32 v26, $0x3;
	v16 =	vld.idx.msk [tilespmem:v16+s11+$0x0], $0xffff;
	v26 =	vand.u32 $0x7F, v26  }
0x10f: {  	v24 =	vor.u32 v25, v24;
	v25 =	vand.u32 $0xC00, v27;
	v27 =	vmov s20;
	v22 =	vld.idx.msk [tilespmem:v22+s3+$0x0], $0xffff  }
0x110: {  	s22 =	simm.s32 $0xB;
	v25 =	vadd.s32 v2, v25;
	v28 =	vshll.u32 v27, $0x3;
	v17 =	vld.idx.msk [tilespmem:v17+s11+$0x0], $0xffff;
	v27 =	vand.u32 $0x7F, v27  }
0x111: {  	v25 =	vor.u32 v26, v25;
	v26 =	vand.u32 $0xC00, v28;
	v28 =	vmov s22;
	v18 =	vld.idx.msk [tilespmem:v18+s3+$0x0], $0xffff  }
0x112: {  	v26 =	vadd.s32 v2, v26;
	v23 =	vld.idx.msk [tilespmem:v23+s11+$0x0], $0xffff;
	v30 =	vshll.u32 v28, $0x3;
	v13 =	vadd.f32 v19, v13  }
0x113: {  	v19 =	vor.u32 v27, v26;
	v26 =	vand.u32 $0xC00, v30;
	v27 =	vand.u32 $0x7F, v28;
	v20 =	vld.idx.msk [tilespmem:v20+s3+$0x0], $0xffff  }
0x114: {  	v21 =	vld.idx.msk [tilespmem:v21+s3+$0x0], $0xffff;
	v28 =	vshll.u32 v14, $0x3;
	v26 =	vadd.s32 v2, v26;
	v13 =	vadd.f32 v22, v13  }
0x115: {  	v14 =	vand.u32 $0x7F, v14;
	v24 =	vld.idx.msk [tilespmem:v24+s11+$0x0], $0xffff;
	v22 =	vand.u32 $0xC00, v28;
	v26 =	vor.u32 v27, v26  }
0x116: {  	v27 =	vshll.u32 v15, $0x3;
	v22 =	vadd.s32 v2, v22;
	v25 =	vld.idx.msk [tilespmem:v25+s11+$0x0], $0xffff;
	v13 =	vadd.f32 v18, v13  }
0x117: {  	v15 =	vand.u32 $0x7F, v15;
	v16 =	vld.idx.msk [tilespmem:v16+s3+$0x0], $0xffff;
	v14 =	vor.u32 v14, v22;
	v18 =	vand.u32 $0xC00, v27  }
0x118: {  	v22 =	vshll.u32 v29, $0x3;
	v19 =	vld.idx.msk [tilespmem:v19+s11+$0x0], $0xffff;
	v18 =	vadd.s32 v2, v18;
	v13 =	vadd.f32 v20, v13  }
0x119: {  	v17 =	vld.idx.msk [tilespmem:v17+s3+$0x0], $0xffff;
	v20 =	vand.u32 $0xC00, v22;
	v15 =	vor.u32 v15, v18;
	v18 =	vand.u32 $0x7F, v29  }
0x11a: {  	v20 =	vadd.s32 v2, v20;
	v22 =	vld.idx.msk [tilespmem:v26+s11+$0x0], $0xffff;
	v26 =	vshll.u32 v12, $0x3;
	v13 =	vadd.f32 v21, v13  }
0x11b: {  	v12 =	vand.u32 $0x7F, v12;
	v18 =	vor.u32 v18, v20;
	v20 =	vld.idx.msk [tilespmem:v23+s3+$0x0], $0xffff;
	v21 =	vand.u32 $0xC00, v26  }
0x11c: {  	v23 =	vshll.u32 v11, $0x3;
	v14 =	vld.idx.msk [tilespmem:v14+s11+$0x0], $0xffff;
	v21 =	vadd.s32 v2, v21;
	v13 =	vadd.f32 v16, v13  }
0x11d: {  	v11 =	vand.u32 $0x7F, v11;
	v16 =	vand.u32 $0xC00, v23;
	v23 =	vld.idx.msk [tilespmem:v24+s3+$0x0], $0xffff;
	v12 =	vor.u32 v12, v21  }
0x11e: {  	v21 =	vshll.u32 v10, $0x3;
	v16 =	vadd.s32 v2, v16;
	v15 =	vld.idx.msk [tilespmem:v15+s11+$0x0], $0xffff;
	v13 =	vadd.f32 v17, v13  }
0x11f: {  	v10 =	vand.u32 $0x7F, v10;
	v11 =	vor.u32 v11, v16;
	v16 =	vld.idx.msk [tilespmem:v25+s3+$0x0], $0xffff;
	v17 =	vand.u32 $0xC00, v21  }
0x120: {  	v21 =	vshll.u32 v9, $0x3;
	v18 =	vld.idx.msk [tilespmem:v18+s11+$0x0], $0xffff;
	v17 =	vadd.s32 v2, v17;
	v13 =	vadd.f32 v20, v13  }
0x121: {  	v9 =	vand.u32 $0x7F, v9;
	v19 =	vld.idx.msk [tilespmem:v19+s3+$0x0], $0xffff;
	v20 =	vand.u32 $0xC00, v21;
	v10 =	vor.u32 v10, v17  }
0x122: {  	v17 =	vadd.s32 v2, v20;
	v12 =	vld.idx.msk [tilespmem:v12+s11+$0x0], $0xffff;
	v20 =	vshll.u32 v8, $0x3;
	v13 =	vadd.f32 v23, v13  }
0x123: {  	v21 =	vshll.u32 v7, $0x3;
	v9 =	vor.u32 v9, v17;
	v17 =	vld.idx.msk [tilespmem:v22+s3+$0x0], $0xffff;
	v20 =	vand.u32 $0xC00, v20  }
0x124: {  	v8 =	vand.u32 $0x7F, v8;
	v11 =	vld.idx.msk [tilespmem:v11+s11+$0x0], $0xffff;
	v20 =	vadd.s32 v2, v20;
	v13 =	vadd.f32 v16, v13  }
0x125: {  	v7 =	vand.u32 $0x7F, v7;
	v14 =	vld.idx.msk [tilespmem:v14+s3+$0x0], $0xffff;
	v16 =	vand.u32 $0xC00, v21;
	v8 =	vor.u32 v8, v20  }
0x126: {  	v20 =	vshll.u32 v6, $0x3;
	v16 =	vadd.s32 v2, v16;
	v10 =	vld.idx.msk [tilespmem:v10+s11+$0x0], $0xffff;
	v13 =	vadd.f32 v19, v13  }
0x127: {  	v6 =	vand.u32 $0x7F, v6;
	v15 =	vld.idx.msk [tilespmem:v15+s3+$0x0], $0xffff;
	v7 =	vor.u32 v7, v16;
	v16 =	vand.u32 $0xC00, v20  }
0x128: {  	v19 =	vshll.u32 v5, $0x3;
	v9 =	vld.idx.msk [tilespmem:v9+s11+$0x0], $0xffff;
	v16 =	vadd.s32 v2, v16;
	v13 =	vadd.f32 v17, v13  }
0x129: {  	v5 =	vand.u32 $0x7F, v5;
	v17 =	vand.u32 $0xC00, v19;
	v19 =	vld.idx.msk [tilespmem:v18+s3+$0x0], $0xffff;
	v6 =	vor.u32 v6, v16  }
0x12a: {  	v16 =	vadd.s32 v2, v17;
	v20 =	vld.idx.msk [tilespmem:v8+s11+$0x0], $0xffff;
	v8 =	vshll.u32 v4, $0x3;
	v13 =	vadd.f32 v14, v13  }
0x12b: {  	v12 =	vld.idx.msk [tilespmem:v12+s3+$0x0], $0xffff;
	v4 =	vand.u32 $0x7F, v4;
	v14 =	vor.u32 v5, v16;
	v5 =	vand.u32 $0xC00, v8  }
0x12c: {  	v8 =	vshll.u32 v3, $0x3;
	v22 =	vld.idx.msk [tilespmem:v7+s11+$0x0], $0xffff;
	v5 =	vadd.s32 v2, v5;
	v7 =	vadd.f32 v15, v13  }
0x12d: {  	s23 =	simm.s32 $0x2F;
	v3 =	vand.u32 $0x7F, v3;
	v8 =	vand.u32 $0xC00, v8;
	v13 =	vld.idx.msk [tilespmem:v11+s3+$0x0], $0xffff;
	v11 =	vor.u32 v4, v5  }
0x12e: {  	s19 =	simm.s32 $0x31;
	s24 =	simm.s32 $0x30;
	v4 =	vadd.s32 v2, v8;
	v5 =	vmov s23;
	v18 =	vld.idx.msk [tilespmem:v6+s11+$0x0], $0xffff;
	v8 =	vadd.f32 v19, v7  }
0x12f: {  	s26 =	simm.s32 $0x2E;
	s28 =	simm.s32 $0x2A;
	v16 =	vor.u32 v3, v4;
	v24 =	vld.idx.msk [tilespmem:v10+s3+$0x0], $0xffff;
	v4 =	vmov s24;
	v3 =	vmov s19  }
0x130: {  	s25 =	simm.s32 $0x2D;
	s29 =	simm.s32 $0x2B;
	s24 =	simm.s32 $0x2C;
	v6 =	vmov s26;
	v10 =	vmov s28;
	v21 =	vld.idx.msk [tilespmem:v14+s11+$0x0], $0xffff;
	v14 =	vadd.f32 v12, v8  }
0x131: {  	s30 =	simm.s32 $0x28;
	s31 =	simm.s32 $0x29;
	v7 =	vmov s25;
	v23 =	vld.idx.msk [tilespmem:v9+s3+$0x0], $0xffff;
	v9 =	vmov s29;
	v8 =	vmov s24  }
0x132: {  	s28 =	simm.s32 $0x1E;
	s25 =	simm.s32 $0x26;
	s24 =	simm.s32 $0x25;
	v12 =	vmov s30;
	v17 =	vld.idx.msk [tilespmem:v11+s11+$0x0], $0xffff;
	v11 =	vmov s31;
	v26 =	vadd.f32 v13, v14  }
0x133: {  	s26 =	simm.s32 $0x27;
	s29 =	simm.s32 $0x1F;
	v25 =	vld.idx.msk [tilespmem:v20+s3+$0x0], $0xffff;
	v15 =	vmov s24;
	v20 =	vmov s28;
	v14 =	vmov s25  }
0x134: {  	s30 =	simm.s32 $0x1B;
	s31 =	simm.s32 $0x1C;
	v13 =	vmov s26;
	v19 =	vld.idx.msk [tilespmem:v16+s11+$0x0], $0xffff;
	s25 =	simm.s32 $0x1D;
	v16 =	vmov s29;
	v28 =	vadd.f32 v24, v26  }
0x135: {  	s21 =	simm.s32 $0x1A;
	s20 =	simm.s32 $0x4A;
	s22 =	simm.s32 $0x19;
	v27 =	vmov s25;
	v26 =	vld.idx.msk [tilespmem:v22+s3+$0x0], $0xffff;
	v24 =	vmov s30;
	v22 =	vmov s31  }
.LBB2_7:
0x136: {  	p1 =	sne.s32 s20, $0xC7;
	v29 =	vmov s22;
	v30 =	vmov s21;
	v23 =	vadd.f32 v23, v28;
	v18 =	vld.idx.msk [tilespmem:v18+s3+$0x0], $0xffff  }
0x137: {  	v31 =	vand.u32 $0x7F, v27;
	v32 =	vshll.u32 v20, $0x3;
	v28 =	vshll.u32 v29, $0x3  }
0x138: {  	v29 =	vand.u32 $0x7F, v29;
	v28 =	vand.u32 $0x400, v28;
	v23 =	vadd.f32 v25, v23;
	v21 =	vld.idx.msk [tilespmem:v21+s3+$0x0], $0xffff  }
0x139: {  	v27 =	vshll.u32 v27, $0x3;
	v25 =	vor.u32 v28, v29;
	v28 =	vshll.u32 v30, $0x3  }
0x13a: {  	v25 =	vor.u32 v2, v25;
	v28 =	vand.u32 $0xC00, v28;
	v23 =	vadd.f32 v26, v23;
	v17 =	vld.idx.msk [tilespmem:v17+s3+$0x0], $0xffff  }
0x13b: {  	v29 =	vshll.u32 v24, $0x3;
	v26 =	vand.u32 $0x7F, v30;
	v28 =	vadd.s32 v2, v28  }
0x13c: {  	v26 =	vor.u32 v26, v28;
	v28 =	vand.u32 $0xC00, v29;
	v18 =	vadd.f32 v18, v23;
	v19 =	vld.idx.msk [tilespmem:v19+s3+$0x0], $0xffff  }
0x13d: {  	v23 =	vand.u32 $0x7F, v24;
	v24 =	vadd.s32 v2, v28;
	v28 =	vshll.u32 v22, $0x3  }
0x13e: {  	v23 =	vor.u32 v23, v24;
	v24 =	vand.u32 $0xC00, v28;
	v18 =	vadd.f32 v21, v18  }
0x13f: {  	v22 =	vand.u32 $0x7F, v22;
	v21 =	vld.idx.msk [tilespmem:v25+s11+$0x0], $0xffff;
	v24 =	vadd.s32 v2, v24;
	v25 =	vand.u32 $0xC00, v27  }
0x140: {  	v22 =	vor.u32 v22, v24;
	v24 =	vadd.s32 v2, v25;
	v17 =	vadd.f32 v17, v18  }
0x141: {  	v20 =	vand.u32 $0x7F, v20;
	v25 =	vand.u32 $0xC00, v32;
	v18 =	vld.idx.msk [tilespmem:v26+s11+$0x0], $0xffff;
	v24 =	vor.u32 v31, v24  }
0x142: {  	s21 =	sadd.s32 $0xFFFFFFEF, s19;
	v25 =	vadd.s32 v2, v25;
	v26 =	vshll.u32 v16, $0x3;
	v17 =	vadd.f32 v19, v17  }
0x143: {  	v20 =	vor.u32 v20, v25;
	v25 =	vmov s21;
	v19 =	vld.idx.msk [tilespmem:v23+s11+$0x0], $0xffff;
	v23 =	vand.u32 $0xC00, v26  }
0x144: {  	v16 =	vand.u32 $0x7F, v16;
	s21 =	sadd.s32 $0xFFFFFFF0, s19;
	v26 =	vshll.u32 v25, $0x3;
	v23 =	vadd.s32 v2, v23  }
0x145: {  	v22 =	vld.idx.msk [tilespmem:v22+s11+$0x0], $0xffff;
	v16 =	vor.u32 v16, v23;
	v23 =	vand.u32 $0xC00, v26;
	v26 =	vmov s21  }
0x146: {  	v25 =	vand.u32 $0x7F, v25;
	s21 =	sadd.s32 $0xFFFFFFF1, s19;
	v24 =	vld.idx.msk [tilespmem:v24+s11+$0x0], $0xffff;
	v23 =	vadd.s32 v2, v23;
	v27 =	vshll.u32 v26, $0x3  }
0x147: {  	v21 =	vld.idx.msk [tilespmem:v21+s3+$0x0], $0xffff;
	v23 =	vor.u32 v25, v23;
	v25 =	vand.u32 $0xC00, v27;
	v27 =	vmov s21  }
0x148: {  	v26 =	vand.u32 $0x7F, v26;
	s21 =	sadd.s32 $0xFFFFFFF2, s19;
	v20 =	vld.idx.msk [tilespmem:v20+s11+$0x0], $0xffff;
	v25 =	vadd.s32 v2, v25;
	v28 =	vshll.u32 v27, $0x3  }
0x149: {  	v18 =	vld.idx.msk [tilespmem:v18+s3+$0x0], $0xffff;
	v25 =	vor.u32 v26, v25;
	v26 =	vand.u32 $0xC00, v28;
	v28 =	vmov s21  }
0x14a: {  	v27 =	vand.u32 $0x7F, v27;
	s21 =	sadd.s32 $0xFFFFFFF3, s19;
	s19 =	smov.u32 s20;
	v16 =	vld.idx.msk [tilespmem:v16+s11+$0x0], $0xffff;
	v26 =	vadd.s32 v2, v26;
	v29 =	vshll.u32 v28, $0x3  }
0x14b: {  	v19 =	vld.idx.msk [tilespmem:v19+s3+$0x0], $0xffff;
	v26 =	vor.u32 v27, v26;
	v27 =	vand.u32 $0xC00, v29;
	v29 =	vmov s21  }
0x14c: {  	v28 =	vand.u32 $0x7F, v28;
	v23 =	vld.idx.msk [tilespmem:v23+s11+$0x0], $0xffff;
	v27 =	vadd.s32 v2, v27;
	v30 =	vshll.u32 v29, $0x3  }
0x14d: {  	v17 =	vadd.f32 v21, v17;
	v21 =	vld.idx.msk [tilespmem:v22+s3+$0x0], $0xffff;
	v22 =	vor.u32 v28, v27;
	v27 =	vand.u32 $0xC00, v30  }
0x14e: {  	v28 =	vand.u32 $0x7F, v29;
	v29 =	vshll.u32 v15, $0x3;
	v25 =	vld.idx.msk [tilespmem:v25+s11+$0x0], $0xffff;
	v27 =	vadd.s32 v2, v27  }
0x14f: {  	v17 =	vadd.f32 v18, v17;
	v18 =	vld.idx.msk [tilespmem:v24+s3+$0x0], $0xffff;
	v24 =	vor.u32 v28, v27;
	v27 =	vand.u32 $0xC00, v29  }
0x150: {  	v15 =	vand.u32 $0x7F, v15;
	v28 =	vshll.u32 v14, $0x3;
	v26 =	vld.idx.msk [tilespmem:v26+s11+$0x0], $0xffff;
	v27 =	vadd.s32 v2, v27  }
0x151: {  	v17 =	vadd.f32 v19, v17;
	v19 =	vld.idx.msk [tilespmem:v20+s3+$0x0], $0xffff;
	v15 =	vor.u32 v15, v27;
	v20 =	vand.u32 $0xC00, v28  }
0x152: {  	v14 =	vand.u32 $0x7F, v14;
	v27 =	vshll.u32 v13, $0x3;
	v22 =	vld.idx.msk [tilespmem:v22+s11+$0x0], $0xffff;
	v20 =	vadd.s32 v2, v20  }
0x153: {  	v17 =	vadd.f32 v21, v17;
	v16 =	vld.idx.msk [tilespmem:v16+s3+$0x0], $0xffff;
	v14 =	vor.u32 v14, v20;
	v20 =	vand.u32 $0xC00, v27  }
0x154: {  	v13 =	vand.u32 $0x7F, v13;
	v21 =	vld.idx.msk [tilespmem:v24+s11+$0x0], $0xffff;
	v20 =	vadd.s32 v2, v20;
	v24 =	vshll.u32 v12, $0x3  }
0x155: {  	v17 =	vadd.f32 v18, v17;
	v18 =	vld.idx.msk [tilespmem:v23+s3+$0x0], $0xffff;
	v13 =	vor.u32 v13, v20;
	v20 =	vand.u32 $0xC00, v24  }
0x156: {  	v12 =	vand.u32 $0x7F, v12;
	v23 =	vshll.u32 v11, $0x3;
	v15 =	vld.idx.msk [tilespmem:v15+s11+$0x0], $0xffff;
	v20 =	vadd.s32 v2, v20  }
0x157: {  	v17 =	vadd.f32 v19, v17;
	v19 =	vld.idx.msk [tilespmem:v25+s3+$0x0], $0xffff;
	v12 =	vor.u32 v12, v20;
	v20 =	vand.u32 $0xC00, v23  }
0x158: {  	v11 =	vand.u32 $0x7F, v11;
	v23 =	vshll.u32 v10, $0x3;
	v14 =	vld.idx.msk [tilespmem:v14+s11+$0x0], $0xffff;
	v20 =	vadd.s32 v2, v20  }
0x159: {  	v16 =	vadd.f32 v16, v17;
	v17 =	vld.idx.msk [tilespmem:v26+s3+$0x0], $0xffff;
	v11 =	vor.u32 v11, v20;
	v20 =	vand.u32 $0xC00, v23  }
0x15a: {  	v10 =	vand.u32 $0x7F, v10;
	v23 =	vshll.u32 v9, $0x3;
	v13 =	vld.idx.msk [tilespmem:v13+s11+$0x0], $0xffff;
	v20 =	vadd.s32 v2, v20  }
0x15b: {  	v16 =	vadd.f32 v18, v16;
	v18 =	vld.idx.msk [tilespmem:v22+s3+$0x0], $0xffff;
	v10 =	vor.u32 v10, v20;
	v20 =	vand.u32 $0xC00, v23  }
0x15c: {  	v9 =	vand.u32 $0x7F, v9;
	v22 =	vshll.u32 v8, $0x3;
	v12 =	vld.idx.msk [tilespmem:v12+s11+$0x0], $0xffff;
	v20 =	vadd.s32 v2, v20  }
0x15d: {  	v16 =	vadd.f32 v19, v16;
	v19 =	vld.idx.msk [tilespmem:v21+s3+$0x0], $0xffff;
	v9 =	vor.u32 v9, v20;
	v20 =	vand.u32 $0xC00, v22  }
0x15e: {  	v8 =	vand.u32 $0x7F, v8;
	v21 =	vshll.u32 v7, $0x3;
	v11 =	vld.idx.msk [tilespmem:v11+s11+$0x0], $0xffff;
	v20 =	vadd.s32 v2, v20  }
0x15f: {  	v16 =	vadd.f32 v17, v16;
	v17 =	vand.u32 $0xC00, v21;
	v15 =	vld.idx.msk [tilespmem:v15+s3+$0x0], $0xffff;
	v8 =	vor.u32 v8, v20  }
0x160: {  	v7 =	vand.u32 $0x7F, v7;
	v17 =	vadd.s32 v2, v17;
	v20 =	vshll.u32 v6, $0x3;
	v10 =	vld.idx.msk [tilespmem:v10+s11+$0x0], $0xffff  }
0x161: {  	v16 =	vadd.f32 v18, v16;
	v7 =	vor.u32 v7, v17;
	v17 =	vand.u32 $0xC00, v20;
	v14 =	vld.idx.msk [tilespmem:v14+s3+$0x0], $0xffff  }
0x162: {  	v6 =	vand.u32 $0x7F, v6;
	v18 =	vshll.u32 v5, $0x3;
	v17 =	vadd.s32 v2, v17;
	v9 =	vld.idx.msk [tilespmem:v9+s11+$0x0], $0xffff  }
0x163: {  	v16 =	vadd.f32 v19, v16;
	v6 =	vor.u32 v6, v17;
	v17 =	vand.u32 $0xC00, v18;
	v13 =	vld.idx.msk [tilespmem:v13+s3+$0x0], $0xffff  }
0x164: {  	v5 =	vand.u32 $0x7F, v5;
	v19 =	vld.idx.msk [tilespmem:v8+s11+$0x0], $0xffff;
	v8 =	vadd.s32 v2, v17;
	v17 =	vshll.u32 v4, $0x3  }
0x165: {  	v15 =	vadd.f32 v15, v16;
	v12 =	vld.idx.msk [tilespmem:v12+s3+$0x0], $0xffff;
	v8 =	vor.u32 v5, v8;
	v5 =	vand.u32 $0xC00, v17  }
0x166: {  	v4 =	vand.u32 $0x7F, v4;
	v22 =	vld.idx.msk [tilespmem:v7+s11+$0x0], $0xffff;
	v5 =	vadd.s32 v2, v5;
	v7 =	vshll.u32 v3, $0x3  }
0x167: {  	v14 =	vadd.f32 v14, v15;
	v15 =	vld.idx.msk [tilespmem:v11+s3+$0x0], $0xffff;
	v11 =	vor.u32 v4, v5;
	v4 =	vand.u32 $0xC00, v7  }
0x168: {  	v3 =	vand.u32 $0x7F, v3;
	v18 =	vld.idx.msk [tilespmem:v6+s11+$0x0], $0xffff;
	v4 =	vadd.s32 v2, v4  }
0x169: {  	s22 =	sadd.s32 $0xFFFFFFFF, s20;
	s21 =	sadd.s32 $0xFFFFFFFE, s20;
	v13 =	vadd.f32 v13, v14;
	v24 =	vld.idx.msk [tilespmem:v10+s3+$0x0], $0xffff;
	v16 =	vor.u32 v3, v4  }
0x16a: {  	s23 =	sadd.s32 $0xFFFFFFFC, s20;
	s24 =	sadd.s32 $0xFFFFFFFD, s20;
	v5 =	vmov s21;
	v4 =	vmov s22;
	v3 =	vmov s20;
	v21 =	vld.idx.msk [tilespmem:v8+s11+$0x0], $0xffff  }
0x16b: {  	s25 =	sadd.s32 $0xFFFFFFFB, s20;
	s21 =	sadd.s32 $0xFFFFFFF9, s20;
	v7 =	vmov s23;
	v6 =	vmov s24;
	s22 =	sadd.s32 $0xFFFFFFFA, s20;
	v13 =	vadd.f32 v12, v13;
	v23 =	vld.idx.msk [tilespmem:v9+s3+$0x0], $0xffff  }
.Ltmp2:
0x16c: {  	s23 =	sadd.s32 $0xFFFFFFF7, s20;
	s24 =	sadd.s32 $0xFFFFFFF8, s20;
	v10 =	vmov s21;
	v8 =	vmov s25;
	v9 =	vmov s22;
	v17 =	vld.idx.msk [tilespmem:v11+s11+$0x0], $0xffff;
	(pc) =	sbr.rel @p1 .LBB2_7-.Ltmp2, $4  }
0x16d: {  	s21 =	sadd.s32 $0xFFFFFFF4, s20;
	s25 =	sadd.s32 $0xFFFFFFF6, s20;
	v12 =	vmov s23;
	s22 =	sadd.s32 $0xFFFFFFF5, s20;
	v11 =	vmov s24;
	v26 =	vadd.f32 v15, v13;
	v25 =	vld.idx.msk [tilespmem:v19+s3+$0x0], $0xffff  }
0x16e: {  	s23 =	sadd.s32 $0xFFFFFFED, s20;
	s24 =	sadd.s32 $0xFFFFFFEE, s20;
	v15 =	vmov s21;
	v14 =	vmov s22;
	v13 =	vmov s25;
	v19 =	vld.idx.msk [tilespmem:v16+s11+$0x0], $0xffff  }
0x16f: {  	s26 =	sadd.s32 $0xFFFFFFEB, s20;
	s28 =	sadd.s32 $0xFFFFFFEC, s20;
	v20 =	vmov s23;
	s25 =	sadd.s32 $0xFFFFFFEA, s20;
	v16 =	vmov s24;
	v28 =	vadd.f32 v24, v26;
	v26 =	vld.idx.msk [tilespmem:v22+s3+$0x0], $0xffff  }
0x170: {  	v27 =	vmov s28;
	s22 =	sadd.s32 $0xFFFFFFE8, s19;
	s21 =	sadd.s32 $0xFFFFFFE9, s19;
	s20 =	sadd.s32 $0x19, s20;
	v24 =	vmov s25;
	v22 =	vmov s26  }
0x171: {  	v29 =	vmov s22  }
0x172: {  	v23 =	vadd.f32 v23, v28;
	v50 =	vmov s21;
	v51 =	vand.u32 $0x7F, v27  }
0x173: {  	v55 =	vshll.u32 v24, $0x3;
	v31 =	vshll.u32 v20, $0x3;
	v30 =	vshll.u32 v29, $0x3  }
0x174: {  	v57 =	vand.u32 $0x7F, v24;
	v29 =	vand.u32 $0x7F, v29;
	v30 =	vand.u32 $0x400, v30  }
0x175: {  	v18 =	vld.idx.msk [tilespmem:v18+s3+$0x0], $0xffff;
	v59 =	vshll.u32 v27, $0x3;
	v52 =	vshll.u32 v50, $0x3;
	v29 =	vor.u32 v30, v29  }
0x176: {  	v23 =	vadd.f32 v25, v23;
	v30 =	vand.u32 $0xC00, v52;
	v29 =	vor.u32 v2, v29  }
0x177: {  	v21 =	vld.idx.msk [tilespmem:v21+s3+$0x0], $0xffff;
	v60 =	vshll.u32 v22, $0x3;
	v53 =	vand.u32 $0x7F, v50;
	v54 =	vadd.s32 v2, v30  }
0x178: {  	v56 =	vand.u32 $0xC00, v55;
	v23 =	vadd.f32 v26, v23;
	v26 =	vor.u32 v53, v54  }
0x179: {  	v32 =	vand.u32 $0x7F, v22;
	v35 =	vand.u32 $0x7F, v20;
	v58 =	vadd.s32 v2, v56  }
0x17a: {  	v61 =	vand.u32 $0xC00, v60;
	v18 =	vadd.f32 v18, v23;
	v23 =	vor.u32 v57, v58  }
0x17b: {  	v36 =	vshll.u32 v16, $0x3;
	v62 =	vand.u32 $0xC00, v59;
	v24 =	vadd.s32 v2, v61;
	v63 =	vld.idx.msk [tilespmem:v29+s11+$0x0], $0xffff  }
0x17c: {  	v22 =	vor.u32 v32, v24;
	v18 =	vadd.f32 v21, v18;
	v21 =	vadd.s32 v2, v62  }
0x17d: {  	s20 =	sadd.s32 $0xFFFFFFEF, s19;
	v39 =	vand.u32 $0x7F, v16;
	v33 =	vand.u32 $0xC00, v31;
	v21 =	vor.u32 v51, v21;
	v34 =	vld.idx.msk [tilespmem:v26+s11+$0x0], $0xffff  }
0x17e: {  	v17 =	vld.idx.msk [tilespmem:v17+s3+$0x0], $0xffff;
	s28 =	sadd.s32 $0xFFFFFFF0, s19;
	s29 =	sadd.s32 $0xFFFFFFF1, s19;
	v37 =	vand.u32 $0xC00, v36;
	v38 =	vmov s20;
	v24 =	vadd.s32 v2, v33  }
0x17f: {  	s30 =	sadd.s32 $0xFFFFFFF2, s19;
	v42 =	vmov s28;
	v45 =	vmov s29;
	v20 =	vor.u32 v35, v24;
	v23 =	vld.idx.msk [tilespmem:v23+s11+$0x0], $0xffff  }
0x180: {  	v50 =	vmov s30;
	v40 =	vshll.u32 v38, $0x3;
	v19 =	vld.idx.msk [tilespmem:v19+s3+$0x0], $0xffff;
	v24 =	vadd.s32 v2, v37  }
0x181: {  	v59 =	vand.u32 $0x7F, v15;
	v41 =	vand.u32 $0xC00, v40;
	v16 =	vor.u32 v39, v24;
	v22 =	vld.idx.msk [tilespmem:v22+s11+$0x0], $0xffff  }
0x182: {  	v43 =	vshll.u32 v42, $0x3;
	v24 =	vadd.s32 v2, v41;
	v26 =	vand.u32 $0x7F, v38;
	v21 =	vld.idx.msk [tilespmem:v21+s11+$0x0], $0xffff  }
0x183: {  	v28 =	vand.u32 $0x7F, v42;
	v44 =	vand.u32 $0xC00, v43;
	v24 =	vor.u32 v26, v24;
	v27 =	vld.idx.msk [tilespmem:v63+s3+$0x0], $0xffff  }
0x184: {  	v46 =	vshll.u32 v45, $0x3;
	v47 =	vld.idx.msk [tilespmem:v20+s11+$0x0], $0xffff;
	v17 =	vadd.f32 v17, v18;
	v26 =	vadd.s32 v2, v44  }
0x185: {  	v49 =	vand.u32 $0xC00, v46;
	v29 =	vand.u32 $0x7F, v45;
	v48 =	vor.u32 v28, v26;
	v25 =	vld.idx.msk [tilespmem:v34+s3+$0x0], $0xffff  }
0x186: {  	s31 =	sadd.s32 $0xFFFFFFF3, s19;
	v51 =	vshll.u32 v50, $0x3;
	v16 =	vld.idx.msk [tilespmem:v16+s11+$0x0], $0xffff;
	v26 =	vadd.s32 v2, v49;
	v17 =	vadd.f32 v19, v17  }
0x187: {  	v52 =	vmov s31;
	v19 =	vand.u32 $0xC00, v51;
	v26 =	vor.u32 v29, v26;
	v23 =	vld.idx.msk [tilespmem:v23+s3+$0x0], $0xffff  }
0x188: {  	v28 =	vand.u32 $0x7F, v50;
	v19 =	vadd.s32 v2, v19;
	v24 =	vld.idx.msk [tilespmem:v24+s11+$0x0], $0xffff;
	v17 =	vadd.f32 v27, v17  }
0x189: {  	v60 =	vshll.u32 v14, $0x3;
	v53 =	vshll.u32 v52, $0x3;
	v19 =	vor.u32 v28, v19;
	v22 =	vld.idx.msk [tilespmem:v22+s3+$0x0], $0xffff  }
0x18a: {  	v56 =	vshll.u32 v15, $0x3;
	v54 =	vand.u32 $0xC00, v53;
	v20 =	vld.idx.msk [tilespmem:v48+s11+$0x0], $0xffff;
	v17 =	vadd.f32 v25, v17  }
0x18b: {  	v61 =	vand.u32 $0xC00, v60;
	v55 =	vand.u32 $0x7F, v52;
	v27 =	vadd.s32 v2, v54;
	v21 =	vld.idx.msk [tilespmem:v21+s3+$0x0], $0xffff  }
0x18c: {  	v58 =	vand.u32 $0xC00, v56;
	v26 =	vld.idx.msk [tilespmem:v26+s11+$0x0], $0xffff;
	v57 =	vor.u32 v55, v27;
	v17 =	vadd.f32 v23, v17  }
0x18d: {  	v33 =	vand.u32 $0x7F, v12;
	v30 =	vshll.u32 v12, $0x3;
	v18 =	vld.idx.msk [tilespmem:v47+s3+$0x0], $0xffff;
	v27 =	vadd.s32 v2, v58  }
0x18e: {  	v32 =	vand.u32 $0xC00, v30;
	v19 =	vld.idx.msk [tilespmem:v19+s11+$0x0], $0xffff;
	v15 =	vor.u32 v59, v27;
	v17 =	vadd.f32 v22, v17  }
0x18f: {  	v62 =	vand.u32 $0x7F, v14;
	v63 =	vshll.u32 v13, $0x3;
	v16 =	vld.idx.msk [tilespmem:v16+s3+$0x0], $0xffff;
	v23 =	vadd.s32 v2, v61  }
0x190: {  	v27 =	vand.u32 $0xC00, v63;
	v31 =	vld.idx.msk [tilespmem:v24+s3+$0x0], $0xffff;
	v14 =	vor.u32 v62, v23;
	v17 =	vadd.f32 v21, v17  }
0x191: {  	v28 =	vand.u32 $0x7F, v13;
	v34 =	vshll.u32 v11, $0x3;
	v29 =	vld.idx.msk [tilespmem:v57+s11+$0x0], $0xffff;
	v22 =	vadd.s32 v2, v27  }
0x192: {  	v35 =	vld.idx.msk [tilespmem:v20+s3+$0x0], $0xffff;
	v13 =	vor.u32 v28, v22;
	v22 =	vadd.s32 v2, v32;
	v17 =	vadd.f32 v18, v17  }
0x193: {  	v37 =	vand.u32 $0x7F, v11;
	v36 =	vand.u32 $0xC00, v34;
	v15 =	vld.idx.msk [tilespmem:v15+s11+$0x0], $0xffff;
	v12 =	vor.u32 v33, v22  }
0x194: {  	v38 =	vshll.u32 v10, $0x3;
	v20 =	vadd.s32 v2, v36;
	v39 =	vld.idx.msk [tilespmem:v26+s3+$0x0], $0xffff;
	v16 =	vadd.f32 v16, v17  }
0x195: {  	v42 =	vshll.u32 v9, $0x3;
	v40 =	vand.u32 $0xC00, v38;
	v11 =	vor.u32 v37, v20;
	v14 =	vld.idx.msk [tilespmem:v14+s11+$0x0], $0xffff  }
0x196: {  	v41 =	vand.u32 $0x7F, v10;
	v20 =	vadd.s32 v2, v40;
	v19 =	vld.idx.msk [tilespmem:v19+s3+$0x0], $0xffff;
	v16 =	vadd.f32 v31, v16  }
0x197: {  	v43 =	vand.u32 $0xC00, v42;
	v45 =	vshll.u32 v8, $0x3;
	v10 =	vor.u32 v41, v20;
	v13 =	vld.idx.msk [tilespmem:v13+s11+$0x0], $0xffff  }
0x198: {  	v44 =	vand.u32 $0x7F, v9;
	v20 =	vadd.s32 v2, v43;
	v12 =	vld.idx.msk [tilespmem:v12+s11+$0x0], $0xffff;
	v16 =	vadd.f32 v35, v16  }
0x199: {  	v49 =	vshll.u32 v7, $0x3;
	v47 =	vand.u32 $0xC00, v45;
	v9 =	vor.u32 v44, v20;
	v46 =	vld.idx.msk [tilespmem:v29+s3+$0x0], $0xffff  }
0x19a: {  	v48 =	vand.u32 $0x7F, v8;
	v20 =	vadd.s32 v2, v47;
	v11 =	vld.idx.msk [tilespmem:v11+s11+$0x0], $0xffff;
	v16 =	vadd.f32 v39, v16  }
0x19b: {  	v50 =	vand.u32 $0xC00, v49;
	v8 =	vor.u32 v48, v20;
	v15 =	vld.idx.msk [tilespmem:v15+s3+$0x0], $0xffff  }
0x19c: {  	v51 =	vand.u32 $0x7F, v7;
	v10 =	vld.idx.msk [tilespmem:v10+s11+$0x0], $0xffff;
	v17 =	vadd.s32 v2, v50;
	v16 =	vadd.f32 v19, v16  }
0x19d: {  	v52 =	vshll.u32 v6, $0x3;
	v7 =	vor.u32 v51, v17;
	v14 =	vld.idx.msk [tilespmem:v14+s3+$0x0], $0xffff  }
0x19e: {  	v53 =	vand.u32 $0xC00, v52;
	v9 =	vld.idx.msk [tilespmem:v9+s11+$0x0], $0xffff;
	v16 =	vadd.f32 v46, v16  }
0x19f: {  	v54 =	vand.u32 $0x7F, v6;
	v55 =	vshll.u32 v5, $0x3;
	v17 =	vadd.s32 v2, v53;
	v13 =	vld.idx.msk [tilespmem:v13+s3+$0x0], $0xffff  }
0x1a0: {  	v56 =	vand.u32 $0xC00, v55;
	v8 =	vld.idx.msk [tilespmem:v8+s11+$0x0], $0xffff;
	v6 =	vor.u32 v54, v17;
	v15 =	vadd.f32 v15, v16  }
0x1a1: {  	v58 =	vshll.u32 v4, $0x3;
	v57 =	vand.u32 $0x7F, v5;
	v17 =	vadd.s32 v2, v56;
	v12 =	vld.idx.msk [tilespmem:v12+s3+$0x0], $0xffff  }
0x1a2: {  	v59 =	vand.u32 $0xC00, v58;
	v5 =	vor.u32 v57, v17;
	v7 =	vld.idx.msk [tilespmem:v7+s11+$0x0], $0xffff;
	v14 =	vadd.f32 v14, v15  }
0x1a3: {  	v60 =	vand.u32 $0x7F, v4;
	v61 =	vshll.u32 v3, $0x3;
	v11 =	vld.idx.msk [tilespmem:v11+s3+$0x0], $0xffff;
	v16 =	vadd.s32 v2, v59  }
0x1a4: {  	v62 =	vand.u32 $0xC00, v61;
	v10 =	vld.idx.msk [tilespmem:v10+s3+$0x0], $0xffff;
	v4 =	vor.u32 v60, v16;
	v13 =	vadd.f32 v13, v14  }
0x1a5: {  	v3 =	vand.u32 $0x7F, v3;
	v6 =	vld.idx.msk [tilespmem:v6+s11+$0x0], $0xffff;
	v2 =	vadd.s32 v2, v62  }
0x1a6: {  	v9 =	vld.idx.msk [tilespmem:v9+s3+$0x0], $0xffff;
	v2 =	vor.u32 v3, v2;
	v63 =	vadd.f32 v12, v13  }
0x1a7: {  	v3 =	vld.idx.msk [tilespmem:v5+s11+$0x0], $0xffff  }
0x1a8: {  	v8 =	vld.idx.msk [tilespmem:v8+s3+$0x0], $0xffff;
	v5 =	vadd.f32 v11, v63  }
0x1a9: {  	v4 =	vld.idx.msk [tilespmem:v4+s11+$0x0], $0xffff  }
0x1aa: {  	v7 =	vld.idx.msk [tilespmem:v7+s3+$0x0], $0xffff;
	v5 =	vadd.f32 v10, v5  }
0x1ab: {  	v2 =	vld.idx.msk [tilespmem:v2+s11+$0x0], $0xffff  }
0x1ac: {  	v5 =	vadd.f32 v9, v5  }
0x1ad: {  	v6 =	vld.idx.msk [tilespmem:v6+s3+$0x0], $0xffff  }
0x1ae: {  	v5 =	vadd.f32 v8, v5  }
0x1af: {  	v3 =	vld.idx.msk [tilespmem:v3+s3+$0x0], $0xffff  }
0x1b0: {  	v5 =	vadd.f32 v7, v5  }
0x1b1: {  	v4 =	vld.idx.msk [tilespmem:v4+s3+$0x0], $0xffff  }
0x1b2: {  	v5 =	vadd.f32 v6, v5  }
0x1b3: {  	v2 =	vld.idx.msk [tilespmem:v2+s3+$0x0], $0xffff  }
0x1b4: {  	v3 =	vadd.f32 v3, v5;
	_ =	sdelay $0x1  }
0x1b5: {  	v3 =	vadd.f32 v4, v3;
	_ =	sdelay $0x1  }
0x1b6: {  	v2 =	vadd.f32 v2, v3;
	_ =	sdelay $0x1  }
0x1b7: {  	v2 =	vsub.f32 $0.0e+00, v2;
	_ =	sdelay $0x1  }
0x1b8: {  	v2 =	vmul.f32 $1.442695020e+00, v2;
	_ =	sdelay $0x1  }
0x1b9: {  	(erf) = vpow2.f32 v2;
	_ =	sdelay $0x8  }
0x1ba: {  	v2 =	vpop (erf)  }
0x1bb: {  	v2 =	vadd.f32 $1.000000000e+00, v2;
	_ =	sdelay $0x1  }
0x1bc: {  	(erf) = vrcp.f32 v2;
	_ =	sdelay $0x3  }
0x1bd: {  	s17 =	sadd.s32 $0x1, s17  }
0x1be: {  	p1 =	sne.s32 s17, $0x4  }
.Ltmp3:
0x1bf: {  	_ = 	snop;
	(pc) =	sbr.rel @p1 .LBB2_6-.Ltmp3, $3  }
0x1c0: {  	_ =	sdelay $0x1  }
0x1c1: {  	v2 =	vpop (erf)  }
0x1c2: {  	[tilespmem:s18+$0x1DFB0] =	vst v2  }
0x1c3: {  	s16 =	sadd.s32 $0x1, s16  }
0x1c4: {  	p1 =	sne.s32 s16, s10  }
.Ltmp4:
0x1c5: {  	_ = 	snop;
	(pc) =	sbr.rel @p1 .LBB2_1-.Ltmp4, $4  }
0x1c6: {  	[hbm4b:s9+s3] =	stream.linear.scatter [tilespmem:s15], [sflag:$0x3], $0x80, $0x38;
	[tilespmem:$0x1DFF0] =	vst v63  }
0x1c7: {  	_ =	swait.ge [sflag:s14], $0x80  }
0x1c8: {  	[sflag:s14] =	ssyncset.done $0x0  }
0x1c9: {  	[sflag:s14] =	ssyncadd.s32 $0xFFFFFF80  }
0x1ca: {  	_ =	sfence.sel $0x180000  }
0x1cb: {  	[bflag:$0x0] =	sbarrier.arrive $0xFFFF  }
0x1cc: {  	p0 =	sne.s32 s2, $0x0;
	_ =	strace $0x90000047  }
0x1cd: {  	s0 =	sadd.s32 @!p0 $0x100000, s0;
	[bflag:$0x2] =	sbarrier.arrive $0xFFFF  }
0x1ce: {  	[sflag:s0] =	ssyncadd.tile.s32 @!p0 $0x1;
	_ =	shalt  }
.Lfunc_end2:
_tile_overlayer_lowered:
.L_overlay_start_2:
0x1cf: {  	(tag) =	ssettag $0x2  }
0x1d0: {  	s0 =	rddreg [dreg:$0x0];
	s2 =	stileid.u32  }
0x1d1: {  	s1 =	rddreg [dreg:$0x1];
	p0 =	sne.s32 s2, $0x0  }
0x1d2: {  	s3 =	rddreg [dreg:$0x2];
	[bflag:$0x3] =	sbarrier.arrive $0xFFFF;
	s2 =	simm.s32 @!p0 $0x1C03  }
0x1d3: {  	[timem:s3], [sflag:s2] =	dma.local @!p0 [hbm:s0], s1  }
0x1d4: {  	s0 =	simm.s32 @!p0 $0x3  }
0x1d5: {  	_ =	swait.ge @!p0 [sflag:s0], s1  }
0x1d6: {  	s1 =	ssub.s32 @!p0 $0x0, s1;
	[sflag:s0] =	ssyncset.done @!p0 $0x0  }
0x1d7: {  	[sflag:s0] =	ssyncadd.s32 @!p0 s1  }
0x1d8: {  	[bflag:$0x3] =	sbarrier.arrive $0xFFFF  }
0x1d9: {  	_ =	shalt  }

</sc_bundles>
